<compile_context>
chip_gen: v7x
topology: tpu7x:2x2x1
jax: 0.10.2.dev20260603
libtpu: 0.0.44.dev20260713+nightly
codegen_flags: <defaults>
</compile_context>

<pallas_src>
import functools

import jax
import jax.numpy as jnp
from jax import lax
from jax.experimental import pallas as pl
from jax.experimental.pallas import tpu as pltpu
from jax.experimental.pallas import tpu_sc as plsc

EMBED_DIM = 32
NUM_CORES = 2
NUM_SUBCORES = 16
NUM_WORKERS = NUM_CORES * NUM_SUBCORES
CHUNK = 128
K = 8


@functools.lru_cache(maxsize=None)
def _make_gather(BATCH: int, HIST: int, V: int, D: int):
    B = BATCH * HIST
    assert B % (NUM_WORKERS * CHUNK) == 0
    b_per_w = B // NUM_WORKERS
    n_chunks = b_per_w // CHUNK
    assert n_chunks % K == 0
    n_groups = n_chunks // K
    n_stages = n_groups + 1
    mesh = plsc.VectorSubcoreMesh(core_axis_name="c", subcore_axis_name="s")

    @functools.partial(
        pl.kernel,
        mesh=mesh,
        out_type=jax.ShapeDtypeStruct((B, D), jnp.float32),
        scratch_types=[
            pltpu.VMEM((n_chunks, CHUNK), jnp.int32),
            pltpu.VMEM((K, CHUNK, D), jnp.float32),
            pltpu.VMEM((K, CHUNK, D), jnp.float32),
            pltpu.SemaphoreType.DMA,
            pltpu.SemaphoreType.DMA,
            pltpu.SemaphoreType.DMA,
            pltpu.SemaphoreType.DMA,
        ],
        compiler_params=pltpu.CompilerParams(use_tc_tiling_on_sc=False),
    )
    def gather_kernel(idx_hbm, table_hbm, out_hbm, idx_v, rows0, rows1,
                      gsem0, gsem1, ssem0, ssem1):
        wid = lax.axis_index("s") * NUM_CORES + lax.axis_index("c")
        pltpu.sync_copy(idx_hbm.at[wid], idx_v)

        banks = ((rows0, gsem0, ssem0), (rows1, gsem1, ssem1))

        def fire_gathers(bank, g):
            rows, gsem, _ = banks[bank]
            for k in range(K):
                c = g * K + k
                pltpu.async_copy(table_hbm.at[idx_v.at[c]], rows.at[k], gsem)

        def drain_gathers(bank, g):
            rows, gsem, _ = banks[bank]
            for k in range(K):
                c = g * K + k
                pltpu.make_async_copy(table_hbm.at[idx_v.at[c]],
                                      rows.at[k], gsem).wait()

        def fire_stores(bank, g):
            rows, _, ssem = banks[bank]
            for k in range(K):
                c = g * K + k
                pltpu.async_copy(rows.at[k],
                                 out_hbm.at[pl.ds((wid * n_chunks + c) * CHUNK,
                                                  CHUNK)],
                                 ssem)

        def drain_stores(bank, g):
            rows, _, ssem = banks[bank]
            for k in range(K):
                c = g * K + k
                pltpu.make_async_copy(
                    rows.at[k],
                    out_hbm.at[pl.ds((wid * n_chunks + c) * CHUNK, CHUNK)],
                    ssem).wait()

        fire_gathers(0, 0)

        def stage(t, bank):
            other = 1 - bank

            @pl.when(t < n_groups)
            def _():
                drain_gathers(bank, t)
                fire_stores(bank, t)

            @pl.when(t >= 1)
            def _():
                drain_stores(other, t - 1)

            @pl.when(t + 1 < n_groups)
            def _():
                fire_gathers(other, t + 1)

        def body(i, carry):
            stage(2 * i, 0)
            stage(2 * i + 1, 1)
            return carry

        lax.fori_loop(0, (n_stages + 1) // 2, body, 0)

    return gather_kernel


def kernel(input, weight):
    BATCH, HIST = input.shape
    B = BATCH * HIST
    V, D = weight.shape
    idx = input.reshape(NUM_WORKERS, B // (NUM_WORKERS * CHUNK), CHUNK)
    idx = idx.astype(jnp.int32)
    out = _make_gather(BATCH, HIST, V, D)(idx, weight)
    return out.reshape(BATCH, HIST, D)

# --- scband reference (transcript-rebuilt; emitter-appended) ---
"""Pipeline reference for scband-var-embedding-cuda-7181185319670 (READ-ONLY COPY).

The authoritative reference and input builder live on the scoring server;
editing this copy changes nothing except your own understanding.
"""

import jax, jax.numpy as jnp
import numpy as np

VOCAB = 1000000
EMBED_DIM = 32
BATCH = 16384
HIST = 50

def setup_inputs(seed: int = 0) -> dict:
    key = jax.random.key(seed)
    k_idx, k_w = jax.random.split(key)
    input = jax.random.randint(k_idx, (BATCH, HIST), 0, VOCAB, dtype=jnp.int64 if jax.config.jax_enable_x64 else jnp.int32)
    # pretrained embedding table (nn.Parameter from constructor)
    weight = jax.random.normal(k_w, (VOCAB, EMBED_DIM), dtype=jnp.float32)
    return {"input": input, "weight": weight}

def reference(input, weight):
    # VarEmbeddingCuda.forward: x = self.embedding(input)
    # plain embedding lookup (padding_idx only affects gradient, not forward,
    # since the weight is supplied pretrained and not re-zeroed)
    x = jnp.take(weight, input, axis=0)
    return x

if __name__ == "__main__":
    import jax
    _d = setup_inputs()
    print(jax.jit(kernel)(*tuple(_d.values())))

</pallas_src>

<mosaic_0001>
#map = affine_map<(d0, d1) -> (0, 0, 0)>
#map1 = affine_map<(d0, d1) -> (0, 0)>
module attributes {stable_mosaic.version = 14 : i64} {
  func.func @gather_kernel(%arg0: i32, %arg1: i32, %arg2: memref<32x200x128xi32, #tpu.memory_space<hbm>>, %arg3: memref<1000000x32xf32, #tpu.memory_space<hbm>>, %arg4: memref<819200x32xf32, #tpu.memory_space<hbm>>, %arg5: memref<200x128xi32, #tpu.memory_space<vmem>>, %arg6: memref<8x128x32xf32, #tpu.memory_space<vmem>>, %arg7: memref<8x128x32xf32, #tpu.memory_space<vmem>>, %arg8: memref<!tpu.dma_semaphore, #tpu.memory_space<semaphore_mem>>, %arg9: memref<!tpu.dma_semaphore, #tpu.memory_space<semaphore_mem>>, %arg10: memref<!tpu.dma_semaphore, #tpu.memory_space<semaphore_mem>>, %arg11: memref<!tpu.dma_semaphore, #tpu.memory_space<semaphore_mem>>) attributes {dimension_semantics = [#tpu.dimension_semantics<core_parallel>, #tpu.dimension_semantics<subcore_parallel>], iteration_bounds = array<i64: 2, 16>, scalar_prefetch = 0 : i64, scratch_operands = 7 : i64, tpu.core_type = #tpu.core_type<sc_vector_subcore>, window_params = [{transform_indices = #map}, {transform_indices = #map1}, {transform_indices = #map1}]} {
    %mul3A = arith.constant 2 : i32
    %mul3A_0 = arith.muli %arg1, %mul3A : i32
    %add3A = arith.addi %mul3A_0, %arg0 : i32
    "tpu.region"() ({
      %run_scoped3A = tpu.sem_alloc : memref<!tpu.dma_semaphore, #tpu.memory_space<semaphore_mem>>
      %dma_start3A_101 = arith.constant 0 : i32
      %dma_start3A_102 = arith.constant 0 : i32
      %dma_start3A_103 = tpu.memref_slice %arg2[%add3A, %dma_start3A_101, %dma_start3A_102] : memref<32x200x128xi32, #tpu.memory_space<hbm>> -> memref<1x200x128xi32, #tpu.memory_space<hbm>>
      %dma_start3A_104 = tpu.memref_squeeze %dma_start3A_103 : memref<1x200x128xi32, #tpu.memory_space<hbm>> -> memref<200x128xi32, #tpu.memory_space<hbm>>
      %dma_start3A_105 = arith.constant 0 : i32
      %dma_start3A_106 = arith.constant 0 : i32
      %dma_start3A_107 = tpu.memref_slice %arg2[%add3A, %dma_start3A_105, %dma_start3A_106] : memref<32x200x128xi32, #tpu.memory_space<hbm>> -> memref<1x200x128xi32, #tpu.memory_space<hbm>>
      %dma_start3A_108 = tpu.memref_squeeze %dma_start3A_107 : memref<1x200x128xi32, #tpu.memory_space<hbm>> -> memref<200x128xi32, #tpu.memory_space<hbm>>
      tpu.enqueue_dma source(%dma_start3A_108 : memref<200x128xi32, #tpu.memory_space<hbm>>) target(%arg5 : memref<200x128xi32, #tpu.memory_space<vmem>>) target_semaphore(%run_scoped3A : memref<!tpu.dma_semaphore, #tpu.memory_space<semaphore_mem>>)
      %dma_wait3A = arith.constant 0 : i32
      %dma_wait3A_109 = arith.constant 0 : i32
      %dma_wait3A_110 = tpu.memref_slice %arg2[%add3A, %dma_wait3A, %dma_wait3A_109] : memref<32x200x128xi32, #tpu.memory_space<hbm>> -> memref<1x200x128xi32, #tpu.memory_space<hbm>>
      %dma_wait3A_111 = tpu.memref_squeeze %dma_wait3A_110 : memref<1x200x128xi32, #tpu.memory_space<hbm>> -> memref<200x128xi32, #tpu.memory_space<hbm>>
      %dma_wait3A_112 = arith.constant 0 : i32
      %dma_wait3A_113 = arith.constant 0 : i32
      %dma_wait3A_114 = tpu.memref_slice %arg2[%add3A, %dma_wait3A_112, %dma_wait3A_113] : memref<32x200x128xi32, #tpu.memory_space<hbm>> -> memref<1x200x128xi32, #tpu.memory_space<hbm>>
      %dma_wait3A_115 = tpu.memref_squeeze %dma_wait3A_114 : memref<1x200x128xi32, #tpu.memory_space<hbm>> -> memref<200x128xi32, #tpu.memory_space<hbm>>
      tpu.wait_dma2 semaphore(%run_scoped3A : memref<!tpu.dma_semaphore, #tpu.memory_space<semaphore_mem>>) src(%dma_wait3A_115 : memref<200x128xi32, #tpu.memory_space<hbm>>) dst(%arg5 : memref<200x128xi32, #tpu.memory_space<vmem>>)
      tpu.yield
    }) : () -> ()
    %dma_start3A = arith.constant 0 : i32
    %dma_start3A_1 = arith.constant 0 : i32
    %dma_start3A_2 = arith.constant 0 : i32
    %dma_start3A_3 = arith.constant 0 : i32
    %dma_start3A_4 = tpu.memref_slice %arg6[%dma_start3A_1, %dma_start3A_2, %dma_start3A_3] : memref<8x128x32xf32, #tpu.memory_space<vmem>> -> memref<1x128x32xf32, #tpu.memory_space<vmem>>
    %dma_start3A_5 = tpu.memref_squeeze %dma_start3A_4 : memref<1x128x32xf32, #tpu.memory_space<vmem>> -> memref<128x32xf32, #tpu.memory_space<vmem>>
    %dma_start3A_6 = arith.constant 0 : i32
    %dma_start3A_7 = tpu.memref_slice %arg5[%dma_start3A, %dma_start3A_6] : memref<200x128xi32, #tpu.memory_space<vmem>> -> memref<1x128xi32, #tpu.memory_space<vmem>>
    %dma_start3A_8 = tpu.memref_squeeze %dma_start3A_7 : memref<1x128xi32, #tpu.memory_space<vmem>> -> memref<128xi32, #tpu.memory_space<vmem>>
    %dma_start3A_9 = arith.constant 0 : i32
    %dma_start3A_10 = arith.constant 0 : i32
    %dma_start3A_11 = tpu.memref_slice %arg3[%dma_start3A_9, %dma_start3A_10] : memref<1000000x32xf32, #tpu.memory_space<hbm>> -> memref<1000000x32xf32, #tpu.memory_space<hbm>>
    tpu.enqueue_indirect_dma source(%dma_start3A_11 : memref<1000000x32xf32, #tpu.memory_space<hbm>>) target(%dma_start3A_5 : memref<128x32xf32, #tpu.memory_space<vmem>>) offsets(%dma_start3A_8 : memref<128xi32, #tpu.memory_space<vmem>>) semaphore(%arg8 : memref<!tpu.dma_semaphore, #tpu.memory_space<semaphore_mem>>)
    %dma_start3A_12 = arith.constant 1 : i32
    %dma_start3A_13 = arith.constant 1 : i32
    %dma_start3A_14 = arith.constant 0 : i32
    %dma_start3A_15 = arith.constant 0 : i32
    %dma_start3A_16 = tpu.memref_slice %arg6[%dma_start3A_13, %dma_start3A_14, %dma_start3A_15] : memref<8x128x32xf32, #tpu.memory_space<vmem>> -> memref<1x128x32xf32, #tpu.memory_space<vmem>>
    %dma_start3A_17 = tpu.memref_squeeze %dma_start3A_16 : memref<1x128x32xf32, #tpu.memory_space<vmem>> -> memref<128x32xf32, #tpu.memory_space<vmem>>
    %dma_start3A_18 = arith.constant 0 : i32
    %dma_start3A_19 = tpu.memref_slice %arg5[%dma_start3A_12, %dma_start3A_18] : memref<200x128xi32, #tpu.memory_space<vmem>> -> memref<1x128xi32, #tpu.memory_space<vmem>>
    %dma_start3A_20 = tpu.memref_squeeze %dma_start3A_19 : memref<1x128xi32, #tpu.memory_space<vmem>> -> memref<128xi32, #tpu.memory_space<vmem>>
    %dma_start3A_21 = arith.constant 0 : i32
    %dma_start3A_22 = arith.constant 0 : i32
    %dma_start3A_23 = tpu.memref_slice %arg3[%dma_start3A_21, %dma_start3A_22] : memref<1000000x32xf32, #tpu.memory_space<hbm>> -> memref<1000000x32xf32, #tpu.memory_space<hbm>>
    tpu.enqueue_indirect_dma source(%dma_start3A_23 : memref<1000000x32xf32, #tpu.memory_space<hbm>>) target(%dma_start3A_17 : memref<128x32xf32, #tpu.memory_space<vmem>>) offsets(%dma_start3A_20 : memref<128xi32, #tpu.memory_space<vmem>>) semaphore(%arg8 : memref<!tpu.dma_semaphore, #tpu.memory_space<semaphore_mem>>)
    %dma_start3A_24 = arith.constant 2 : i32
    %dma_start3A_25 = arith.constant 2 : i32
    %dma_start3A_26 = arith.constant 0 : i32
    %dma_start3A_27 = arith.constant 0 : i32
    %dma_start3A_28 = tpu.memref_slice %arg6[%dma_start3A_25, %dma_start3A_26, %dma_start3A_27] : memref<8x128x32xf32, #tpu.memory_space<vmem>> -> memref<1x128x32xf32, #tpu.memory_space<vmem>>
    %dma_start3A_29 = tpu.memref_squeeze %dma_start3A_28 : memref<1x128x32xf32, #tpu.memory_space<vmem>> -> memref<128x32xf32, #tpu.memory_space<vmem>>
    %dma_start3A_30 = arith.constant 0 : i32
    %dma_start3A_31 = tpu.memref_slice %arg5[%dma_start3A_24, %dma_start3A_30] : memref<200x128xi32, #tpu.memory_space<vmem>> -> memref<1x128xi32, #tpu.memory_space<vmem>>
    %dma_start3A_32 = tpu.memref_squeeze %dma_start3A_31 : memref<1x128xi32, #tpu.memory_space<vmem>> -> memref<128xi32, #tpu.memory_space<vmem>>
    %dma_start3A_33 = arith.constant 0 : i32
    %dma_start3A_34 = arith.constant 0 : i32
    %dma_start3A_35 = tpu.memref_slice %arg3[%dma_start3A_33, %dma_start3A_34] : memref<1000000x32xf32, #tpu.memory_space<hbm>> -> memref<1000000x32xf32, #tpu.memory_space<hbm>>
    tpu.enqueue_indirect_dma source(%dma_start3A_35 : memref<1000000x32xf32, #tpu.memory_space<hbm>>) target(%dma_start3A_29 : memref<128x32xf32, #tpu.memory_space<vmem>>) offsets(%dma_start3A_32 : memref<128xi32, #tpu.memory_space<vmem>>) semaphore(%arg8 : memref<!tpu.dma_semaphore, #tpu.memory_space<semaphore_mem>>)
    %dma_start3A_36 = arith.constant 3 : i32
    %dma_start3A_37 = arith.constant 3 : i32
    %dma_start3A_38 = arith.constant 0 : i32
    %dma_start3A_39 = arith.constant 0 : i32
    %dma_start3A_40 = tpu.memref_slice %arg6[%dma_start3A_37, %dma_start3A_38, %dma_start3A_39] : memref<8x128x32xf32, #tpu.memory_space<vmem>> -> memref<1x128x32xf32, #tpu.memory_space<vmem>>
    %dma_start3A_41 = tpu.memref_squeeze %dma_start3A_40 : memref<1x128x32xf32, #tpu.memory_space<vmem>> -> memref<128x32xf32, #tpu.memory_space<vmem>>
    %dma_start3A_42 = arith.constant 0 : i32
    %dma_start3A_43 = tpu.memref_slice %arg5[%dma_start3A_36, %dma_start3A_42] : memref<200x128xi32, #tpu.memory_space<vmem>> -> memref<1x128xi32, #tpu.memory_space<vmem>>
    %dma_start3A_44 = tpu.memref_squeeze %dma_start3A_43 : memref<1x128xi32, #tpu.memory_space<vmem>> -> memref<128xi32, #tpu.memory_space<vmem>>
    %dma_start3A_45 = arith.constant 0 : i32
    %dma_start3A_46 = arith.constant 0 : i32
    %dma_start3A_47 = tpu.memref_slice %arg3[%dma_start3A_45, %dma_start3A_46] : memref<1000000x32xf32, #tpu.memory_space<hbm>> -> memref<1000000x32xf32, #tpu.memory_space<hbm>>
    tpu.enqueue_indirect_dma source(%dma_start3A_47 : memref<1000000x32xf32, #tpu.memory_space<hbm>>) target(%dma_start3A_41 : memref<128x32xf32, #tpu.memory_space<vmem>>) offsets(%dma_start3A_44 : memref<128xi32, #tpu.memory_space<vmem>>) semaphore(%arg8 : memref<!tpu.dma_semaphore, #tpu.memory_space<semaphore_mem>>)
    %dma_start3A_48 = arith.constant 4 : i32
    %dma_start3A_49 = arith.constant 4 : i32
    %dma_start3A_50 = arith.constant 0 : i32
    %dma_start3A_51 = arith.constant 0 : i32
    %dma_start3A_52 = tpu.memref_slice %arg6[%dma_start3A_49, %dma_start3A_50, %dma_start3A_51] : memref<8x128x32xf32, #tpu.memory_space<vmem>> -> memref<1x128x32xf32, #tpu.memory_space<vmem>>
    %dma_start3A_53 = tpu.memref_squeeze %dma_start3A_52 : memref<1x128x32xf32, #tpu.memory_space<vmem>> -> memref<128x32xf32, #tpu.memory_space<vmem>>
    %dma_start3A_54 = arith.constant 0 : i32
    %dma_start3A_55 = tpu.memref_slice %arg5[%dma_start3A_48, %dma_start3A_54] : memref<200x128xi32, #tpu.memory_space<vmem>> -> memref<1x128xi32, #tpu.memory_space<vmem>>
    %dma_start3A_56 = tpu.memref_squeeze %dma_start3A_55 : memref<1x128xi32, #tpu.memory_space<vmem>> -> memref<128xi32, #tpu.memory_space<vmem>>
    %dma_start3A_57 = arith.constant 0 : i32
    %dma_start3A_58 = arith.constant 0 : i32
    %dma_start3A_59 = tpu.memref_slice %arg3[%dma_start3A_57, %dma_start3A_58] : memref<1000000x32xf32, #tpu.memory_space<hbm>> -> memref<1000000x32xf32, #tpu.memory_space<hbm>>
    tpu.enqueue_indirect_dma source(%dma_start3A_59 : memref<1000000x32xf32, #tpu.memory_space<hbm>>) target(%dma_start3A_53 : memref<128x32xf32, #tpu.memory_space<vmem>>) offsets(%dma_start3A_56 : memref<128xi32, #tpu.memory_space<vmem>>) semaphore(%arg8 : memref<!tpu.dma_semaphore, #tpu.memory_space<semaphore_mem>>)
    %dma_start3A_60 = arith.constant 5 : i32
    %dma_start3A_61 = arith.constant 5 : i32
    %dma_start3A_62 = arith.constant 0 : i32
    %dma_start3A_63 = arith.constant 0 : i32
    %dma_start3A_64 = tpu.memref_slice %arg6[%dma_start3A_61, %dma_start3A_62, %dma_start3A_63] : memref<8x128x32xf32, #tpu.memory_space<vmem>> -> memref<1x128x32xf32, #tpu.memory_space<vmem>>
    %dma_start3A_65 = tpu.memref_squeeze %dma_start3A_64 : memref<1x128x32xf32, #tpu.memory_space<vmem>> -> memref<128x32xf32, #tpu.memory_space<vmem>>
    %dma_start3A_66 = arith.constant 0 : i32
    %dma_start3A_67 = tpu.memref_slice %arg5[%dma_start3A_60, %dma_start3A_66] : memref<200x128xi32, #tpu.memory_space<vmem>> -> memref<1x128xi32, #tpu.memory_space<vmem>>
    %dma_start3A_68 = tpu.memref_squeeze %dma_start3A_67 : memref<1x128xi32, #tpu.memory_space<vmem>> -> memref<128xi32, #tpu.memory_space<vmem>>
    %dma_start3A_69 = arith.constant 0 : i32
    %dma_start3A_70 = arith.constant 0 : i32
    %dma_start3A_71 = tpu.memref_slice %arg3[%dma_start3A_69, %dma_start3A_70] : memref<1000000x32xf32, #tpu.memory_space<hbm>> -> memref<1000000x32xf32, #tpu.memory_space<hbm>>
    tpu.enqueue_indirect_dma source(%dma_start3A_71 : memref<1000000x32xf32, #tpu.memory_space<hbm>>) target(%dma_start3A_65 : memref<128x32xf32, #tpu.memory_space<vmem>>) offsets(%dma_start3A_68 : memref<128xi32, #tpu.memory_space<vmem>>) semaphore(%arg8 : memref<!tpu.dma_semaphore, #tpu.memory_space<semaphore_mem>>)
    %dma_start3A_72 = arith.constant 6 : i32
    %dma_start3A_73 = arith.constant 6 : i32
    %dma_start3A_74 = arith.constant 0 : i32
    %dma_start3A_75 = arith.constant 0 : i32
    %dma_start3A_76 = tpu.memref_slice %arg6[%dma_start3A_73, %dma_start3A_74, %dma_start3A_75] : memref<8x128x32xf32, #tpu.memory_space<vmem>> -> memref<1x128x32xf32, #tpu.memory_space<vmem>>
    %dma_start3A_77 = tpu.memref_squeeze %dma_start3A_76 : memref<1x128x32xf32, #tpu.memory_space<vmem>> -> memref<128x32xf32, #tpu.memory_space<vmem>>
    %dma_start3A_78 = arith.constant 0 : i32
    %dma_start3A_79 = tpu.memref_slice %arg5[%dma_start3A_72, %dma_start3A_78] : memref<200x128xi32, #tpu.memory_space<vmem>> -> memref<1x128xi32, #tpu.memory_space<vmem>>
    %dma_start3A_80 = tpu.memref_squeeze %dma_start3A_79 : memref<1x128xi32, #tpu.memory_space<vmem>> -> memref<128xi32, #tpu.memory_space<vmem>>
    %dma_start3A_81 = arith.constant 0 : i32
    %dma_start3A_82 = arith.constant 0 : i32
    %dma_start3A_83 = tpu.memref_slice %arg3[%dma_start3A_81, %dma_start3A_82] : memref<1000000x32xf32, #tpu.memory_space<hbm>> -> memref<1000000x32xf32, #tpu.memory_space<hbm>>
    tpu.enqueue_indirect_dma source(%dma_start3A_83 : memref<1000000x32xf32, #tpu.memory_space<hbm>>) target(%dma_start3A_77 : memref<128x32xf32, #tpu.memory_space<vmem>>) offsets(%dma_start3A_80 : memref<128xi32, #tpu.memory_space<vmem>>) semaphore(%arg8 : memref<!tpu.dma_semaphore, #tpu.memory_space<semaphore_mem>>)
    %dma_start3A_84 = arith.constant 7 : i32
    %dma_start3A_85 = arith.constant 7 : i32
    %dma_start3A_86 = arith.constant 0 : i32
    %dma_start3A_87 = arith.constant 0 : i32
    %dma_start3A_88 = tpu.memref_slice %arg6[%dma_start3A_85, %dma_start3A_86, %dma_start3A_87] : memref<8x128x32xf32, #tpu.memory_space<vmem>> -> memref<1x128x32xf32, #tpu.memory_space<vmem>>
    %dma_start3A_89 = tpu.memref_squeeze %dma_start3A_88 : memref<1x128x32xf32, #tpu.memory_space<vmem>> -> memref<128x32xf32, #tpu.memory_space<vmem>>
    %dma_start3A_90 = arith.constant 0 : i32
    %dma_start3A_91 = tpu.memref_slice %arg5[%dma_start3A_84, %dma_start3A_90] : memref<200x128xi32, #tpu.memory_space<vmem>> -> memref<1x128xi32, #tpu.memory_space<vmem>>
    %dma_start3A_92 = tpu.memref_squeeze %dma_start3A_91 : memref<1x128xi32, #tpu.memory_space<vmem>> -> memref<128xi32, #tpu.memory_space<vmem>>
    %dma_start3A_93 = arith.constant 0 : i32
    %dma_start3A_94 = arith.constant 0 : i32
    %dma_start3A_95 = tpu.memref_slice %arg3[%dma_start3A_93, %dma_start3A_94] : memref<1000000x32xf32, #tpu.memory_space<hbm>> -> memref<1000000x32xf32, #tpu.memory_space<hbm>>
    tpu.enqueue_indirect_dma source(%dma_start3A_95 : memref<1000000x32xf32, #tpu.memory_space<hbm>>) target(%dma_start3A_89 : memref<128x32xf32, #tpu.memory_space<vmem>>) offsets(%dma_start3A_92 : memref<128xi32, #tpu.memory_space<vmem>>) semaphore(%arg8 : memref<!tpu.dma_semaphore, #tpu.memory_space<semaphore_mem>>)
    %scan3A = arith.constant 0 : i32
    %scan3A_96 = arith.constant 0 : i32
    %scan3A_97 = arith.constant 13 : i32
    %scan3A_98 = arith.addi %scan3A_96, %scan3A_97 : i32
    %scan3A_99 = arith.constant 1 : i32
    scf.for %scan3A_101 = %scan3A_96 to %scan3A_98 step %scan3A_99  : i32 {
      %mul3A_102 = arith.constant 2 : i32
      %mul3A_103 = arith.muli %mul3A_102, %scan3A_101 : i32
      %lt3A = arith.constant 25 : i32
      %lt3A_104 = arith.cmpi slt, %mul3A_103, %lt3A : i32
      %convert_element_type3A = arith.extui %lt3A_104 : i1 to i32
      %cond3A = arith.constant 0 : i32
      %cond3A_105 = arith.cmpi ne, %convert_element_type3A, %cond3A : i32
      scf.if %cond3A_105 {
        %mul3A_138 = arith.constant 8 : i32
        %mul3A_139 = arith.muli %mul3A_103, %mul3A_138 : i32
        %add3A_140 = arith.constant 0 : i32
        %add3A_141 = arith.addi %mul3A_139, %add3A_140 : i32
        %dma_wait3A = arith.constant 0 : i32
        %dma_wait3A_142 = arith.constant 0 : i32
        %dma_wait3A_143 = arith.constant 0 : i32
        %dma_wait3A_144 = tpu.memref_slice %arg6[%dma_wait3A, %dma_wait3A_142, %dma_wait3A_143] : memref<8x128x32xf32, #tpu.memory_space<vmem>> -> memref<1x128x32xf32, #tpu.memory_space<vmem>>
        %dma_wait3A_145 = tpu.memref_squeeze %dma_wait3A_144 : memref<1x128x32xf32, #tpu.memory_space<vmem>> -> memref<128x32xf32, #tpu.memory_space<vmem>>
        %dma_wait3A_146 = arith.constant 0 : i32
        %dma_wait3A_147 = tpu.memref_slice %arg5[%add3A_141, %dma_wait3A_146] : memref<200x128xi32, #tpu.memory_space<vmem>> -> memref<1x128xi32, #tpu.memory_space<vmem>>
        %dma_wait3A_148 = tpu.memref_squeeze %dma_wait3A_147 : memref<1x128xi32, #tpu.memory_space<vmem>> -> memref<128xi32, #tpu.memory_space<vmem>>
        %dma_wait3A_149 = arith.constant 0 : i32
        %dma_wait3A_150 = arith.constant 0 : i32
        %dma_wait3A_151 = tpu.memref_slice %arg3[%dma_wait3A_149, %dma_wait3A_150] : memref<1000000x32xf32, #tpu.memory_space<hbm>> -> memref<1000000x32xf32, #tpu.memory_space<hbm>>
        tpu.wait_indirect_dma semaphore(%arg8 : memref<!tpu.dma_semaphore, #tpu.memory_space<semaphore_mem>>) src(%dma_wait3A_151 : memref<1000000x32xf32, #tpu.memory_space<hbm>>) dst(%dma_wait3A_145 : memref<128x32xf32, #tpu.memory_space<vmem>>)
        %mul3A_152 = arith.constant 8 : i32
        %mul3A_153 = arith.muli %mul3A_103, %mul3A_152 : i32
        %add3A_154 = arith.constant 1 : i32
        %add3A_155 = arith.addi %mul3A_153, %add3A_154 : i32
        %dma_wait3A_156 = arith.constant 1 : i32
        %dma_wait3A_157 = arith.constant 0 : i32
        %dma_wait3A_158 = arith.constant 0 : i32
        %dma_wait3A_159 = tpu.memref_slice %arg6[%dma_wait3A_156, %dma_wait3A_157, %dma_wait3A_158] : memref<8x128x32xf32, #tpu.memory_space<vmem>> -> memref<1x128x32xf32, #tpu.memory_space<vmem>>
        %dma_wait3A_160 = tpu.memref_squeeze %dma_wait3A_159 : memref<1x128x32xf32, #tpu.memory_space<vmem>> -> memref<128x32xf32, #tpu.memory_space<vmem>>
        %dma_wait3A_161 = arith.constant 0 : i32
        %dma_wait3A_162 = tpu.memref_slice %arg5[%add3A_155, %dma_wait3A_161] : memref<200x128xi32, #tpu.memory_space<vmem>> -> memref<1x128xi32, #tpu.memory_space<vmem>>
        %dma_wait3A_163 = tpu.memref_squeeze %dma_wait3A_162 : memref<1x128xi32, #tpu.memory_space<vmem>> -> memref<128xi32, #tpu.memory_space<vmem>>
        %dma_wait3A_164 = arith.constant 0 : i32
        %dma_wait3A_165 = arith.constant 0 : i32
        %dma_wait3A_166 = tpu.memref_slice %arg3[%dma_wait3A_164, %dma_wait3A_165] : memref<1000000x32xf32, #tpu.memory_space<hbm>> -> memref<1000000x32xf32, #tpu.memory_space<hbm>>
        tpu.wait_indirect_dma semaphore(%arg8 : memref<!tpu.dma_semaphore, #tpu.memory_space<semaphore_mem>>) src(%dma_wait3A_166 : memref<1000000x32xf32, #tpu.memory_space<hbm>>) dst(%dma_wait3A_160 : memref<128x32xf32, #tpu.memory_space<vmem>>)
        %mul3A_167 = arith.constant 8 : i32
        %mul3A_168 = arith.muli %mul3A_103, %mul3A_167 : i32
        %add3A_169 = arith.constant 2 : i32
        %add3A_170 = arith.addi %mul3A_168, %add3A_169 : i32
        %dma_wait3A_171 = arith.constant 2 : i32
        %dma_wait3A_172 = arith.constant 0 : i32
        %dma_wait3A_173 = arith.constant 0 : i32
        %dma_wait3A_174 = tpu.memref_slice %arg6[%dma_wait3A_171, %dma_wait3A_172, %dma_wait3A_173] : memref<8x128x32xf32, #tpu.memory_space<vmem>> -> memref<1x128x32xf32, #tpu.memory_space<vmem>>
        %dma_wait3A_175 = tpu.memref_squeeze %dma_wait3A_174 : memref<1x128x32xf32, #tpu.memory_space<vmem>> -> memref<128x32xf32, #tpu.memory_space<vmem>>
        %dma_wait3A_176 = arith.constant 0 : i32
        %dma_wait3A_177 = tpu.memref_slice %arg5[%add3A_170, %dma_wait3A_176] : memref<200x128xi32, #tpu.memory_space<vmem>> -> memref<1x128xi32, #tpu.memory_space<vmem>>
        %dma_wait3A_178 = tpu.memref_squeeze %dma_wait3A_177 : memref<1x128xi32, #tpu.memory_space<vmem>> -> memref<128xi32, #tpu.memory_space<vmem>>
        %dma_wait3A_179 = arith.constant 0 : i32
        %dma_wait3A_180 = arith.constant 0 : i32
        %dma_wait3A_181 = tpu.memref_slice %arg3[%dma_wait3A_179, %dma_wait3A_180] : memref<1000000x32xf32, #tpu.memory_space<hbm>> -> memref<1000000x32xf32, #tpu.memory_space<hbm>>
        tpu.wait_indirect_dma semaphore(%arg8 : memref<!tpu.dma_semaphore, #tpu.memory_space<semaphore_mem>>) src(%dma_wait3A_181 : memref<1000000x32xf32, #tpu.memory_space<hbm>>) dst(%dma_wait3A_175 : memref<128x32xf32, #tpu.memory_space<vmem>>)
        %mul3A_182 = arith.constant 8 : i32
        %mul3A_183 = arith.muli %mul3A_103, %mul3A_182 : i32
        %add3A_184 = arith.constant 3 : i32
        %add3A_185 = arith.addi %mul3A_183, %add3A_184 : i32
        %dma_wait3A_186 = arith.constant 3 : i32
        %dma_wait3A_187 = arith.constant 0 : i32
        %dma_wait3A_188 = arith.constant 0 : i32
        %dma_wait3A_189 = tpu.memref_slice %arg6[%dma_wait3A_186, %dma_wait3A_187, %dma_wait3A_188] : memref<8x128x32xf32, #tpu.memory_space<vmem>> -> memref<1x128x32xf32, #tpu.memory_space<vmem>>
        %dma_wait3A_190 = tpu.memref_squeeze %dma_wait3A_189 : memref<1x128x32xf32, #tpu.memory_space<vmem>> -> memref<128x32xf32, #tpu.memory_space<vmem>>
        %dma_wait3A_191 = arith.constant 0 : i32
        %dma_wait3A_192 = tpu.memref_slice %arg5[%add3A_185, %dma_wait3A_191] : memref<200x128xi32, #tpu.memory_space<vmem>> -> memref<1x128xi32, #tpu.memory_space<vmem>>
        %dma_wait3A_193 = tpu.memref_squeeze %dma_wait3A_192 : memref<1x128xi32, #tpu.memory_space<vmem>> -> memref<128xi32, #tpu.memory_space<vmem>>
        %dma_wait3A_194 = arith.constant 0 : i32
        %dma_wait3A_195 = arith.constant 0 : i32
        %dma_wait3A_196 = tpu.memref_slice %arg3[%dma_wait3A_194, %dma_wait3A_195] : memref<1000000x32xf32, #tpu.memory_space<hbm>> -> memref<1000000x32xf32, #tpu.memory_space<hbm>>
        tpu.wait_indirect_dma semaphore(%arg8 : memref<!tpu.dma_semaphore, #tpu.memory_space<semaphore_mem>>) src(%dma_wait3A_196 : memref<1000000x32xf32, #tpu.memory_space<hbm>>) dst(%dma_wait3A_190 : memref<128x32xf32, #tpu.memory_space<vmem>>)
        %mul3A_197 = arith.constant 8 : i32
        %mul3A_198 = arith.muli %mul3A_103, %mul3A_197 : i32
        %add3A_199 = arith.constant 4 : i32
        %add3A_200 = arith.addi %mul3A_198, %add3A_199 : i32
        %dma_wait3A_201 = arith.constant 4 : i32
        %dma_wait3A_202 = arith.constant 0 : i32
        %dma_wait3A_203 = arith.constant 0 : i32
        %dma_wait3A_204 = tpu.memref_slice %arg6[%dma_wait3A_201, %dma_wait3A_202, %dma_wait3A_203] : memref<8x128x32xf32, #tpu.memory_space<vmem>> -> memref<1x128x32xf32, #tpu.memory_space<vmem>>
        %dma_wait3A_205 = tpu.memref_squeeze %dma_wait3A_204 : memref<1x128x32xf32, #tpu.memory_space<vmem>> -> memref<128x32xf32, #tpu.memory_space<vmem>>
        %dma_wait3A_206 = arith.constant 0 : i32
        %dma_wait3A_207 = tpu.memref_slice %arg5[%add3A_200, %dma_wait3A_206] : memref<200x128xi32, #tpu.memory_space<vmem>> -> memref<1x128xi32, #tpu.memory_space<vmem>>
        %dma_wait3A_208 = tpu.memref_squeeze %dma_wait3A_207 : memref<1x128xi32, #tpu.memory_space<vmem>> -> memref<128xi32, #tpu.memory_space<vmem>>
        %dma_wait3A_209 = arith.constant 0 : i32
        %dma_wait3A_210 = arith.constant 0 : i32
        %dma_wait3A_211 = tpu.memref_slice %arg3[%dma_wait3A_209, %dma_wait3A_210] : memref<1000000x32xf32, #tpu.memory_space<hbm>> -> memref<1000000x32xf32, #tpu.memory_space<hbm>>
        tpu.wait_indirect_dma semaphore(%arg8 : memref<!tpu.dma_semaphore, #tpu.memory_space<semaphore_mem>>) src(%dma_wait3A_211 : memref<1000000x32xf32, #tpu.memory_space<hbm>>) dst(%dma_wait3A_205 : memref<128x32xf32, #tpu.memory_space<vmem>>)
        %mul3A_212 = arith.constant 8 : i32
        %mul3A_213 = arith.muli %mul3A_103, %mul3A_212 : i32
        %add3A_214 = arith.constant 5 : i32
        %add3A_215 = arith.addi %mul3A_213, %add3A_214 : i32
        %dma_wait3A_216 = arith.constant 5 : i32
        %dma_wait3A_217 = arith.constant 0 : i32
        %dma_wait3A_218 = arith.constant 0 : i32
        %dma_wait3A_219 = tpu.memref_slice %arg6[%dma_wait3A_216, %dma_wait3A_217, %dma_wait3A_218] : memref<8x128x32xf32, #tpu.memory_space<vmem>> -> memref<1x128x32xf32, #tpu.memory_space<vmem>>
        %dma_wait3A_220 = tpu.memref_squeeze %dma_wait3A_219 : memref<1x128x32xf32, #tpu.memory_space<vmem>> -> memref<128x32xf32, #tpu.memory_space<vmem>>
        %dma_wait3A_221 = arith.constant 0 : i32
        %dma_wait3A_222 = tpu.memref_slice %arg5[%add3A_215, %dma_wait3A_221] : memref<200x128xi32, #tpu.memory_space<vmem>> -> memref<1x128xi32, #tpu.memory_space<vmem>>
        %dma_wait3A_223 = tpu.memref_squeeze %dma_wait3A_222 : memref<1x128xi32, #tpu.memory_space<vmem>> -> memref<128xi32, #tpu.memory_space<vmem>>
        %dma_wait3A_224 = arith.constant 0 : i32
        %dma_wait3A_225 = arith.constant 0 : i32
        %dma_wait3A_226 = tpu.memref_slice %arg3[%dma_wait3A_224, %dma_wait3A_225] : memref<1000000x32xf32, #tpu.memory_space<hbm>> -> memref<1000000x32xf32, #tpu.memory_space<hbm>>
        tpu.wait_indirect_dma semaphore(%arg8 : memref<!tpu.dma_semaphore, #tpu.memory_space<semaphore_mem>>) src(%dma_wait3A_226 : memref<1000000x32xf32, #tpu.memory_space<hbm>>) dst(%dma_wait3A_220 : memref<128x32xf32, #tpu.memory_space<vmem>>)
        %mul3A_227 = arith.constant 8 : i32
        %mul3A_228 = arith.muli %mul3A_103, %mul3A_227 : i32
        %add3A_229 = arith.constant 6 : i32
        %add3A_230 = arith.addi %mul3A_228, %add3A_229 : i32
        %dma_wait3A_231 = arith.constant 6 : i32
        %dma_wait3A_232 = arith.constant 0 : i32
        %dma_wait3A_233 = arith.constant 0 : i32
        %dma_wait3A_234 = tpu.memref_slice %arg6[%dma_wait3A_231, %dma_wait3A_232, %dma_wait3A_233] : memref<8x128x32xf32, #tpu.memory_space<vmem>> -> memref<1x128x32xf32, #tpu.memory_space<vmem>>
        %dma_wait3A_235 = tpu.memref_squeeze %dma_wait3A_234 : memref<1x128x32xf32, #tpu.memory_space<vmem>> -> memref<128x32xf32, #tpu.memory_space<vmem>>
        %dma_wait3A_236 = arith.constant 0 : i32
        %dma_wait3A_237 = tpu.memref_slice %arg5[%add3A_230, %dma_wait3A_236] : memref<200x128xi32, #tpu.memory_space<vmem>> -> memref<1x128xi32, #tpu.memory_space<vmem>>
        %dma_wait3A_238 = tpu.memref_squeeze %dma_wait3A_237 : memref<1x128xi32, #tpu.memory_space<vmem>> -> memref<128xi32, #tpu.memory_space<vmem>>
        %dma_wait3A_239 = arith.constant 0 : i32
        %dma_wait3A_240 = arith.constant 0 : i32
        %dma_wait3A_241 = tpu.memref_slice %arg3[%dma_wait3A_239, %dma_wait3A_240] : memref<1000000x32xf32, #tpu.memory_space<hbm>> -> memref<1000000x32xf32, #tpu.memory_space<hbm>>
        tpu.wait_indirect_dma semaphore(%arg8 : memref<!tpu.dma_semaphore, #tpu.memory_space<semaphore_mem>>) src(%dma_wait3A_241 : memref<1000000x32xf32, #tpu.memory_space<hbm>>) dst(%dma_wait3A_235 : memref<128x32xf32, #tpu.memory_space<vmem>>)
        %mul3A_242 = arith.constant 8 : i32
        %mul3A_243 = arith.muli %mul3A_103, %mul3A_242 : i32
        %add3A_244 = arith.constant 7 : i32
        %add3A_245 = arith.addi %mul3A_243, %add3A_244 : i32
        %dma_wait3A_246 = arith.constant 7 : i32
        %dma_wait3A_247 = arith.constant 0 : i32
        %dma_wait3A_248 = arith.constant 0 : i32
        %dma_wait3A_249 = tpu.memref_slice %arg6[%dma_wait3A_246, %dma_wait3A_247, %dma_wait3A_248] : memref<8x128x32xf32, #tpu.memory_space<vmem>> -> memref<1x128x32xf32, #tpu.memory_space<vmem>>
        %dma_wait3A_250 = tpu.memref_squeeze %dma_wait3A_249 : memref<1x128x32xf32, #tpu.memory_space<vmem>> -> memref<128x32xf32, #tpu.memory_space<vmem>>
        %dma_wait3A_251 = arith.constant 0 : i32
        %dma_wait3A_252 = tpu.memref_slice %arg5[%add3A_245, %dma_wait3A_251] : memref<200x128xi32, #tpu.memory_space<vmem>> -> memref<1x128xi32, #tpu.memory_space<vmem>>
        %dma_wait3A_253 = tpu.memref_squeeze %dma_wait3A_252 : memref<1x128xi32, #tpu.memory_space<vmem>> -> memref<128xi32, #tpu.memory_space<vmem>>
        %dma_wait3A_254 = arith.constant 0 : i32
        %dma_wait3A_255 = arith.constant 0 : i32
        %dma_wait3A_256 = tpu.memref_slice %arg3[%dma_wait3A_254, %dma_wait3A_255] : memref<1000000x32xf32, #tpu.memory_space<hbm>> -> memref<1000000x32xf32, #tpu.memory_space<hbm>>
        tpu.wait_indirect_dma semaphore(%arg8 : memref<!tpu.dma_semaphore, #tpu.memory_space<semaphore_mem>>) src(%dma_wait3A_256 : memref<1000000x32xf32, #tpu.memory_space<hbm>>) dst(%dma_wait3A_250 : memref<128x32xf32, #tpu.memory_space<vmem>>)
        %mul3A_257 = arith.constant 8 : i32
        %mul3A_258 = arith.muli %mul3A_103, %mul3A_257 : i32
        %add3A_259 = arith.constant 0 : i32
        %add3A_260 = arith.addi %mul3A_258, %add3A_259 : i32
        %mul3A_261 = arith.constant 200 : i32
        %mul3A_262 = arith.muli %add3A, %mul3A_261 : i32
        %add3A_263 = arith.addi %mul3A_262, %add3A_260 : i32
        %mul3A_264 = arith.constant 128 : i32
        %mul3A_265 = arith.muli %add3A_263, %mul3A_264 : i32
        %dma_start3A_266 = arith.constant 0 : i32
        %dma_start3A_267 = arith.constant 0 : i32
        %dma_start3A_268 = arith.constant 0 : i32
        %dma_start3A_269 = tpu.memref_slice %arg6[%dma_start3A_266, %dma_start3A_267, %dma_start3A_268] : memref<8x128x32xf32, #tpu.memory_space<vmem>> -> memref<1x128x32xf32, #tpu.memory_space<vmem>>
        %dma_start3A_270 = tpu.memref_squeeze %dma_start3A_269 : memref<1x128x32xf32, #tpu.memory_space<vmem>> -> memref<128x32xf32, #tpu.memory_space<vmem>>
        %dma_start3A_271 = arith.constant 0 : i32
        %dma_start3A_272 = tpu.memref_slice %arg4[%mul3A_265, %dma_start3A_271] : memref<819200x32xf32, #tpu.memory_space<hbm>> -> memref<128x32xf32, #tpu.memory_space<hbm>>
        %dma_start3A_273 = arith.constant 0 : i32
        %dma_start3A_274 = tpu.memref_slice %arg4[%mul3A_265, %dma_start3A_273] : memref<819200x32xf32, #tpu.memory_space<hbm>> -> memref<128x32xf32, #tpu.memory_space<hbm>>
        %dma_start3A_275 = arith.constant 0 : i32
        %dma_start3A_276 = arith.constant 0 : i32
        %dma_start3A_277 = tpu.memref_slice %arg6[%dma_start3A_266, %dma_start3A_275, %dma_start3A_276] : memref<8x128x32xf32, #tpu.memory_space<vmem>> -> memref<1x128x32xf32, #tpu.memory_space<vmem>>
        %dma_start3A_278 = tpu.memref_squeeze %dma_start3A_277 : memref<1x128x32xf32, #tpu.memory_space<vmem>> -> memref<128x32xf32, #tpu.memory_space<vmem>>
        tpu.enqueue_dma source(%dma_start3A_278 : memref<128x32xf32, #tpu.memory_space<vmem>>) target(%dma_start3A_274 : memref<128x32xf32, #tpu.memory_space<hbm>>) target_semaphore(%arg10 : memref<!tpu.dma_semaphore, #tpu.memory_space<semaphore_mem>>)
        %mul3A_279 = arith.constant 8 : i32
        %mul3A_280 = arith.muli %mul3A_103, %mul3A_279 : i32
        %add3A_281 = arith.constant 1 : i32
        %add3A_282 = arith.addi %mul3A_280, %add3A_281 : i32
        %mul3A_283 = arith.constant 200 : i32
        %mul3A_284 = arith.muli %add3A, %mul3A_283 : i32
        %add3A_285 = arith.addi %mul3A_284, %add3A_282 : i32
        %mul3A_286 = arith.constant 128 : i32
        %mul3A_287 = arith.muli %add3A_285, %mul3A_286 : i32
        %dma_start3A_288 = arith.constant 1 : i32
        %dma_start3A_289 = arith.constant 0 : i32
        %dma_start3A_290 = arith.constant 0 : i32
        %dma_start3A_291 = tpu.memref_slice %arg6[%dma_start3A_288, %dma_start3A_289, %dma_start3A_290] : memref<8x128x32xf32, #tpu.memory_space<vmem>> -> memref<1x128x32xf32, #tpu.memory_space<vmem>>
        %dma_start3A_292 = tpu.memref_squeeze %dma_start3A_291 : memref<1x128x32xf32, #tpu.memory_space<vmem>> -> memref<128x32xf32, #tpu.memory_space<vmem>>
        %dma_start3A_293 = arith.constant 0 : i32
        %dma_start3A_294 = tpu.memref_slice %arg4[%mul3A_287, %dma_start3A_293] : memref<819200x32xf32, #tpu.memory_space<hbm>> -> memref<128x32xf32, #tpu.memory_space<hbm>>
        %dma_start3A_295 = arith.constant 0 : i32
        %dma_start3A_296 = tpu.memref_slice %arg4[%mul3A_287, %dma_start3A_295] : memref<819200x32xf32, #tpu.memory_space<hbm>> -> memref<128x32xf32, #tpu.memory_space<hbm>>
        %dma_start3A_297 = arith.constant 0 : i32
        %dma_start3A_298 = arith.constant 0 : i32
        %dma_start3A_299 = tpu.memref_slice %arg6[%dma_start3A_288, %dma_start3A_297, %dma_start3A_298] : memref<8x128x32xf32, #tpu.memory_space<vmem>> -> memref<1x128x32xf32, #tpu.memory_space<vmem>>
        %dma_start3A_300 = tpu.memref_squeeze %dma_start3A_299 : memref<1x128x32xf32, #tpu.memory_space<vmem>> -> memref<128x32xf32, #tpu.memory_space<vmem>>
        tpu.enqueue_dma source(%dma_start3A_300 : memref<128x32xf32, #tpu.memory_space<vmem>>) target(%dma_start3A_296 : memref<128x32xf32, #tpu.memory_space<hbm>>) target_semaphore(%arg10 : memref<!tpu.dma_semaphore, #tpu.memory_space<semaphore_mem>>)
        %mul3A_301 = arith.constant 8 : i32
        %mul3A_302 = arith.muli %mul3A_103, %mul3A_301 : i32
        %add3A_303 = arith.constant 2 : i32
        %add3A_304 = arith.addi %mul3A_302, %add3A_303 : i32
        %mul3A_305 = arith.constant 200 : i32
        %mul3A_306 = arith.muli %add3A, %mul3A_305 : i32
        %add3A_307 = arith.addi %mul3A_306, %add3A_304 : i32
        %mul3A_308 = arith.constant 128 : i32
        %mul3A_309 = arith.muli %add3A_307, %mul3A_308 : i32
        %dma_start3A_310 = arith.constant 2 : i32
        %dma_start3A_311 = arith.constant 0 : i32
        %dma_start3A_312 = arith.constant 0 : i32
        %dma_start3A_313 = tpu.memref_slice %arg6[%dma_start3A_310, %dma_start3A_311, %dma_start3A_312] : memref<8x128x32xf32, #tpu.memory_space<vmem>> -> memref<1x128x32xf32, #tpu.memory_space<vmem>>
        %dma_start3A_314 = tpu.memref_squeeze %dma_start3A_313 : memref<1x128x32xf32, #tpu.memory_space<vmem>> -> memref<128x32xf32, #tpu.memory_space<vmem>>
        %dma_start3A_315 = arith.constant 0 : i32
        %dma_start3A_316 = tpu.memref_slice %arg4[%mul3A_309, %dma_start3A_315] : memref<819200x32xf32, #tpu.memory_space<hbm>> -> memref<128x32xf32, #tpu.memory_space<hbm>>
        %dma_start3A_317 = arith.constant 0 : i32
        %dma_start3A_318 = tpu.memref_slice %arg4[%mul3A_309, %dma_start3A_317] : memref<819200x32xf32, #tpu.memory_space<hbm>> -> memref<128x32xf32, #tpu.memory_space<hbm>>
        %dma_start3A_319 = arith.constant 0 : i32
        %dma_start3A_320 = arith.constant 0 : i32
        %dma_start3A_321 = tpu.memref_slice %arg6[%dma_start3A_310, %dma_start3A_319, %dma_start3A_320] : memref<8x128x32xf32, #tpu.memory_space<vmem>> -> memref<1x128x32xf32, #tpu.memory_space<vmem>>
        %dma_start3A_322 = tpu.memref_squeeze %dma_start3A_321 : memref<1x128x32xf32, #tpu.memory_space<vmem>> -> memref<128x32xf32, #tpu.memory_space<vmem>>
        tpu.enqueue_dma source(%dma_start3A_322 : memref<128x32xf32, #tpu.memory_space<vmem>>) target(%dma_start3A_318 : memref<128x32xf32, #tpu.memory_space<hbm>>) target_semaphore(%arg10 : memref<!tpu.dma_semaphore, #tpu.memory_space<semaphore_mem>>)
        %mul3A_323 = arith.constant 8 : i32
        %mul3A_324 = arith.muli %mul3A_103, %mul3A_323 : i32
        %add3A_325 = arith.constant 3 : i32
        %add3A_326 = arith.addi %mul3A_324, %add3A_325 : i32
        %mul3A_327 = arith.constant 200 : i32
        %mul3A_328 = arith.muli %add3A, %mul3A_327 : i32
        %add3A_329 = arith.addi %mul3A_328, %add3A_326 : i32
        %mul3A_330 = arith.constant 128 : i32
        %mul3A_331 = arith.muli %add3A_329, %mul3A_330 : i32
        %dma_start3A_332 = arith.constant 3 : i32
        %dma_start3A_333 = arith.constant 0 : i32
        %dma_start3A_334 = arith.constant 0 : i32
        %dma_start3A_335 = tpu.memref_slice %arg6[%dma_start3A_332, %dma_start3A_333, %dma_start3A_334] : memref<8x128x32xf32, #tpu.memory_space<vmem>> -> memref<1x128x32xf32, #tpu.memory_space<vmem>>
        %dma_start3A_336 = tpu.memref_squeeze %dma_start3A_335 : memref<1x128x32xf32, #tpu.memory_space<vmem>> -> memref<128x32xf32, #tpu.memory_space<vmem>>
        %dma_start3A_337 = arith.constant 0 : i32
        %dma_start3A_338 = tpu.memref_slice %arg4[%mul3A_331, %dma_start3A_337] : memref<819200x32xf32, #tpu.memory_space<hbm>> -> memref<128x32xf32, #tpu.memory_space<hbm>>
        %dma_start3A_339 = arith.constant 0 : i32
        %dma_start3A_340 = tpu.memref_slice %arg4[%mul3A_331, %dma_start3A_339] : memref<819200x32xf32, #tpu.memory_space<hbm>> -> memref<128x32xf32, #tpu.memory_space<hbm>>
        %dma_start3A_341 = arith.constant 0 : i32
        %dma_start3A_342 = arith.constant 0 : i32
        %dma_start3A_343 = tpu.memref_slice %arg6[%dma_start3A_332, %dma_start3A_341, %dma_start3A_342] : memref<8x128x32xf32, #tpu.memory_space<vmem>> -> memref<1x128x32xf32, #tpu.memory_space<vmem>>
        %dma_start3A_344 = tpu.memref_squeeze %dma_start3A_343 : memref<1x128x32xf32, #tpu.memory_space<vmem>> -> memref<128x32xf32, #tpu.memory_space<vmem>>
        tpu.enqueue_dma source(%dma_start3A_344 : memref<128x32xf32, #tpu.memory_space<vmem>>) target(%dma_start3A_340 : memref<128x32xf32, #tpu.memory_space<hbm>>) target_semaphore(%arg10 : memref<!tpu.dma_semaphore, #tpu.memory_space<semaphore_mem>>)
        %mul3A_345 = arith.constant 8 : i32
        %mul3A_346 = arith.muli %mul3A_103, %mul3A_345 : i32
        %add3A_347 = arith.constant 4 : i32
        %add3A_348 = arith.addi %mul3A_346, %add3A_347 : i32
        %mul3A_349 = arith.constant 200 : i32
        %mul3A_350 = arith.muli %add3A, %mul3A_349 : i32
        %add3A_351 = arith.addi %mul3A_350, %add3A_348 : i32
        %mul3A_352 = arith.constant 128 : i32
        %mul3A_353 = arith.muli %add3A_351, %mul3A_352 : i32
        %dma_start3A_354 = arith.constant 4 : i32
        %dma_start3A_355 = arith.constant 0 : i32
        %dma_start3A_356 = arith.constant 0 : i32
        %dma_start3A_357 = tpu.memref_slice %arg6[%dma_start3A_354, %dma_start3A_355, %dma_start3A_356] : memref<8x128x32xf32, #tpu.memory_space<vmem>> -> memref<1x128x32xf32, #tpu.memory_space<vmem>>
        %dma_start3A_358 = tpu.memref_squeeze %dma_start3A_357 : memref<1x128x32xf32, #tpu.memory_space<vmem>> -> memref<128x32xf32, #tpu.memory_space<vmem>>
        %dma_start3A_359 = arith.constant 0 : i32
        %dma_start3A_360 = tpu.memref_slice %arg4[%mul3A_353, %dma_start3A_359] : memref<819200x32xf32, #tpu.memory_space<hbm>> -> memref<128x32xf32, #tpu.memory_space<hbm>>
        %dma_start3A_361 = arith.constant 0 : i32
        %dma_start3A_362 = tpu.memref_slice %arg4[%mul3A_353, %dma_start3A_361] : memref<819200x32xf32, #tpu.memory_space<hbm>> -> memref<128x32xf32, #tpu.memory_space<hbm>>
        %dma_start3A_363 = arith.constant 0 : i32
        %dma_start3A_364 = arith.constant 0 : i32
        %dma_start3A_365 = tpu.memref_slice %arg6[%dma_start3A_354, %dma_start3A_363, %dma_start3A_364] : memref<8x128x32xf32, #tpu.memory_space<vmem>> -> memref<1x128x32xf32, #tpu.memory_space<vmem>>
        %dma_start3A_366 = tpu.memref_squeeze %dma_start3A_365 : memref<1x128x32xf32, #tpu.memory_space<vmem>> -> memref<128x32xf32, #tpu.memory_space<vmem>>
        tpu.enqueue_dma source(%dma_start3A_366 : memref<128x32xf32, #tpu.memory_space<vmem>>) target(%dma_start3A_362 : memref<128x32xf32, #tpu.memory_space<hbm>>) target_semaphore(%arg10 : memref<!tpu.dma_semaphore, #tpu.memory_space<semaphore_mem>>)
        %mul3A_367 = arith.constant 8 : i32
        %mul3A_368 = arith.muli %mul3A_103, %mul3A_367 : i32
        %add3A_369 = arith.constant 5 : i32
        %add3A_370 = arith.addi %mul3A_368, %add3A_369 : i32
        %mul3A_371 = arith.constant 200 : i32
        %mul3A_372 = arith.muli %add3A, %mul3A_371 : i32
        %add3A_373 = arith.addi %mul3A_372, %add3A_370 : i32
        %mul3A_374 = arith.constant 128 : i32
        %mul3A_375 = arith.muli %add3A_373, %mul3A_374 : i32
        %dma_start3A_376 = arith.constant 5 : i32
        %dma_start3A_377 = arith.constant 0 : i32
        %dma_start3A_378 = arith.constant 0 : i32
        %dma_start3A_379 = tpu.memref_slice %arg6[%dma_start3A_376, %dma_start3A_377, %dma_start3A_378] : memref<8x128x32xf32, #tpu.memory_space<vmem>> -> memref<1x128x32xf32, #tpu.memory_space<vmem>>
        %dma_start3A_380 = tpu.memref_squeeze %dma_start3A_379 : memref<1x128x32xf32, #tpu.memory_space<vmem>> -> memref<128x32xf32, #tpu.memory_space<vmem>>
        %dma_start3A_381 = arith.constant 0 : i32
        %dma_start3A_382 = tpu.memref_slice %arg4[%mul3A_375, %dma_start3A_381] : memref<819200x32xf32, #tpu.memory_space<hbm>> -> memref<128x32xf32, #tpu.memory_space<hbm>>
        %dma_start3A_383 = arith.constant 0 : i32
        %dma_start3A_384 = tpu.memref_slice %arg4[%mul3A_375, %dma_start3A_383] : memref<819200x32xf32, #tpu.memory_space<hbm>> -> memref<128x32xf32, #tpu.memory_space<hbm>>
        %dma_start3A_385 = arith.constant 0 : i32
        %dma_start3A_386 = arith.constant 0 : i32
        %dma_start3A_387 = tpu.memref_slice %arg6[%dma_start3A_376, %dma_start3A_385, %dma_start3A_386] : memref<8x128x32xf32, #tpu.memory_space<vmem>> -> memref<1x128x32xf32, #tpu.memory_space<vmem>>
        %dma_start3A_388 = tpu.memref_squeeze %dma_start3A_387 : memref<1x128x32xf32, #tpu.memory_space<vmem>> -> memref<128x32xf32, #tpu.memory_space<vmem>>
        tpu.enqueue_dma source(%dma_start3A_388 : memref<128x32xf32, #tpu.memory_space<vmem>>) target(%dma_start3A_384 : memref<128x32xf32, #tpu.memory_space<hbm>>) target_semaphore(%arg10 : memref<!tpu.dma_semaphore, #tpu.memory_space<semaphore_mem>>)
        %mul3A_389 = arith.constant 8 : i32
        %mul3A_390 = arith.muli %mul3A_103, %mul3A_389 : i32
        %add3A_391 = arith.constant 6 : i32
        %add3A_392 = arith.addi %mul3A_390, %add3A_391 : i32
        %mul3A_393 = arith.constant 200 : i32
        %mul3A_394 = arith.muli %add3A, %mul3A_393 : i32
        %add3A_395 = arith.addi %mul3A_394, %add3A_392 : i32
        %mul3A_396 = arith.constant 128 : i32
        %mul3A_397 = arith.muli %add3A_395, %mul3A_396 : i32
        %dma_start3A_398 = arith.constant 6 : i32
        %dma_start3A_399 = arith.constant 0 : i32
        %dma_start3A_400 = arith.constant 0 : i32
        %dma_start3A_401 = tpu.memref_slice %arg6[%dma_start3A_398, %dma_start3A_399, %dma_start3A_400] : memref<8x128x32xf32, #tpu.memory_space<vmem>> -> memref<1x128x32xf32, #tpu.memory_space<vmem>>
        %dma_start3A_402 = tpu.memref_squeeze %dma_start3A_401 : memref<1x128x32xf32, #tpu.memory_space<vmem>> -> memref<128x32xf32, #tpu.memory_space<vmem>>
        %dma_start3A_403 = arith.constant 0 : i32
        %dma_start3A_404 = tpu.memref_slice %arg4[%mul3A_397, %dma_start3A_403] : memref<819200x32xf32, #tpu.memory_space<hbm>> -> memref<128x32xf32, #tpu.memory_space<hbm>>
        %dma_start3A_405 = arith.constant 0 : i32
        %dma_start3A_406 = tpu.memref_slice %arg4[%mul3A_397, %dma_start3A_405] : memref<819200x32xf32, #tpu.memory_space<hbm>> -> memref<128x32xf32, #tpu.memory_space<hbm>>
        %dma_start3A_407 = arith.constant 0 : i32
        %dma_start3A_408 = arith.constant 0 : i32
        %dma_start3A_409 = tpu.memref_slice %arg6[%dma_start3A_398, %dma_start3A_407, %dma_start3A_408] : memref<8x128x32xf32, #tpu.memory_space<vmem>> -> memref<1x128x32xf32, #tpu.memory_space<vmem>>
        %dma_start3A_410 = tpu.memref_squeeze %dma_start3A_409 : memref<1x128x32xf32, #tpu.memory_space<vmem>> -> memref<128x32xf32, #tpu.memory_space<vmem>>
        tpu.enqueue_dma source(%dma_start3A_410 : memref<128x32xf32, #tpu.memory_space<vmem>>) target(%dma_start3A_406 : memref<128x32xf32, #tpu.memory_space<hbm>>) target_semaphore(%arg10 : memref<!tpu.dma_semaphore, #tpu.memory_space<semaphore_mem>>)
        %mul3A_411 = arith.constant 8 : i32
        %mul3A_412 = arith.muli %mul3A_103, %mul3A_411 : i32
        %add3A_413 = arith.constant 7 : i32
        %add3A_414 = arith.addi %mul3A_412, %add3A_413 : i32
        %mul3A_415 = arith.constant 200 : i32
        %mul3A_416 = arith.muli %add3A, %mul3A_415 : i32
        %add3A_417 = arith.addi %mul3A_416, %add3A_414 : i32
        %mul3A_418 = arith.constant 128 : i32
        %mul3A_419 = arith.muli %add3A_417, %mul3A_418 : i32
        %dma_start3A_420 = arith.constant 7 : i32
        %dma_start3A_421 = arith.constant 0 : i32
        %dma_start3A_422 = arith.constant 0 : i32
        %dma_start3A_423 = tpu.memref_slice %arg6[%dma_start3A_420, %dma_start3A_421, %dma_start3A_422] : memref<8x128x32xf32, #tpu.memory_space<vmem>> -> memref<1x128x32xf32, #tpu.memory_space<vmem>>
        %dma_start3A_424 = tpu.memref_squeeze %dma_start3A_423 : memref<1x128x32xf32, #tpu.memory_space<vmem>> -> memref<128x32xf32, #tpu.memory_space<vmem>>
        %dma_start3A_425 = arith.constant 0 : i32
        %dma_start3A_426 = tpu.memref_slice %arg4[%mul3A_419, %dma_start3A_425] : memref<819200x32xf32, #tpu.memory_space<hbm>> -> memref<128x32xf32, #tpu.memory_space<hbm>>
        %dma_start3A_427 = arith.constant 0 : i32
        %dma_start3A_428 = tpu.memref_slice %arg4[%mul3A_419, %dma_start3A_427] : memref<819200x32xf32, #tpu.memory_space<hbm>> -> memref<128x32xf32, #tpu.memory_space<hbm>>
        %dma_start3A_429 = arith.constant 0 : i32
        %dma_start3A_430 = arith.constant 0 : i32
        %dma_start3A_431 = tpu.memref_slice %arg6[%dma_start3A_420, %dma_start3A_429, %dma_start3A_430] : memref<8x128x32xf32, #tpu.memory_space<vmem>> -> memref<1x128x32xf32, #tpu.memory_space<vmem>>
        %dma_start3A_432 = tpu.memref_squeeze %dma_start3A_431 : memref<1x128x32xf32, #tpu.memory_space<vmem>> -> memref<128x32xf32, #tpu.memory_space<vmem>>
        tpu.enqueue_dma source(%dma_start3A_432 : memref<128x32xf32, #tpu.memory_space<vmem>>) target(%dma_start3A_428 : memref<128x32xf32, #tpu.memory_space<hbm>>) target_semaphore(%arg10 : memref<!tpu.dma_semaphore, #tpu.memory_space<semaphore_mem>>)
      } else {
      }
      %ge3A = arith.constant 1 : i32
      %ge3A_106 = arith.cmpi sge, %mul3A_103, %ge3A : i32
      %convert_element_type3A_107 = arith.extui %ge3A_106 : i1 to i32
      %cond3A_108 = arith.constant 0 : i32
      %cond3A_109 = arith.cmpi ne, %convert_element_type3A_107, %cond3A_108 : i32
      scf.if %cond3A_109 {
        %sub3A = arith.constant 1 : i32
        %sub3A_138 = arith.subi %mul3A_103, %sub3A : i32
        %mul3A_139 = arith.constant 8 : i32
        %mul3A_140 = arith.muli %sub3A_138, %mul3A_139 : i32
        %add3A_141 = arith.constant 0 : i32
        %add3A_142 = arith.addi %mul3A_140, %add3A_141 : i32
        %mul3A_143 = arith.constant 200 : i32
        %mul3A_144 = arith.muli %add3A, %mul3A_143 : i32
        %add3A_145 = arith.addi %mul3A_144, %add3A_142 : i32
        %mul3A_146 = arith.constant 128 : i32
        %mul3A_147 = arith.muli %add3A_145, %mul3A_146 : i32
        %dma_wait3A = arith.constant 0 : i32
        %dma_wait3A_148 = arith.constant 0 : i32
        %dma_wait3A_149 = arith.constant 0 : i32
        %dma_wait3A_150 = tpu.memref_slice %arg7[%dma_wait3A, %dma_wait3A_148, %dma_wait3A_149] : memref<8x128x32xf32, #tpu.memory_space<vmem>> -> memref<1x128x32xf32, #tpu.memory_space<vmem>>
        %dma_wait3A_151 = tpu.memref_squeeze %dma_wait3A_150 : memref<1x128x32xf32, #tpu.memory_space<vmem>> -> memref<128x32xf32, #tpu.memory_space<vmem>>
        %dma_wait3A_152 = arith.constant 0 : i32
        %dma_wait3A_153 = tpu.memref_slice %arg4[%mul3A_147, %dma_wait3A_152] : memref<819200x32xf32, #tpu.memory_space<hbm>> -> memref<128x32xf32, #tpu.memory_space<hbm>>
        %dma_wait3A_154 = arith.constant 0 : i32
        %dma_wait3A_155 = tpu.memref_slice %arg4[%mul3A_147, %dma_wait3A_154] : memref<819200x32xf32, #tpu.memory_space<hbm>> -> memref<128x32xf32, #tpu.memory_space<hbm>>
        %dma_wait3A_156 = arith.constant 0 : i32
        %dma_wait3A_157 = arith.constant 0 : i32
        %dma_wait3A_158 = tpu.memref_slice %arg7[%dma_wait3A, %dma_wait3A_156, %dma_wait3A_157] : memref<8x128x32xf32, #tpu.memory_space<vmem>> -> memref<1x128x32xf32, #tpu.memory_space<vmem>>
        %dma_wait3A_159 = tpu.memref_squeeze %dma_wait3A_158 : memref<1x128x32xf32, #tpu.memory_space<vmem>> -> memref<128x32xf32, #tpu.memory_space<vmem>>
        tpu.wait_dma2 semaphore(%arg11 : memref<!tpu.dma_semaphore, #tpu.memory_space<semaphore_mem>>) src(%dma_wait3A_159 : memref<128x32xf32, #tpu.memory_space<vmem>>) dst(%dma_wait3A_155 : memref<128x32xf32, #tpu.memory_space<hbm>>)
        %mul3A_160 = arith.constant 8 : i32
        %mul3A_161 = arith.muli %sub3A_138, %mul3A_160 : i32
        %add3A_162 = arith.constant 1 : i32
        %add3A_163 = arith.addi %mul3A_161, %add3A_162 : i32
        %mul3A_164 = arith.constant 200 : i32
        %mul3A_165 = arith.muli %add3A, %mul3A_164 : i32
        %add3A_166 = arith.addi %mul3A_165, %add3A_163 : i32
        %mul3A_167 = arith.constant 128 : i32
        %mul3A_168 = arith.muli %add3A_166, %mul3A_167 : i32
        %dma_wait3A_169 = arith.constant 1 : i32
        %dma_wait3A_170 = arith.constant 0 : i32
        %dma_wait3A_171 = arith.constant 0 : i32
        %dma_wait3A_172 = tpu.memref_slice %arg7[%dma_wait3A_169, %dma_wait3A_170, %dma_wait3A_171] : memref<8x128x32xf32, #tpu.memory_space<vmem>> -> memref<1x128x32xf32, #tpu.memory_space<vmem>>
        %dma_wait3A_173 = tpu.memref_squeeze %dma_wait3A_172 : memref<1x128x32xf32, #tpu.memory_space<vmem>> -> memref<128x32xf32, #tpu.memory_space<vmem>>
        %dma_wait3A_174 = arith.constant 0 : i32
        %dma_wait3A_175 = tpu.memref_slice %arg4[%mul3A_168, %dma_wait3A_174] : memref<819200x32xf32, #tpu.memory_space<hbm>> -> memref<128x32xf32, #tpu.memory_space<hbm>>
        %dma_wait3A_176 = arith.constant 0 : i32
        %dma_wait3A_177 = tpu.memref_slice %arg4[%mul3A_168, %dma_wait3A_176] : memref<819200x32xf32, #tpu.memory_space<hbm>> -> memref<128x32xf32, #tpu.memory_space<hbm>>
        %dma_wait3A_178 = arith.constant 0 : i32
        %dma_wait3A_179 = arith.constant 0 : i32
        %dma_wait3A_180 = tpu.memref_slice %arg7[%dma_wait3A_169, %dma_wait3A_178, %dma_wait3A_179] : memref<8x128x32xf32, #tpu.memory_space<vmem>> -> memref<1x128x32xf32, #tpu.memory_space<vmem>>
        %dma_wait3A_181 = tpu.memref_squeeze %dma_wait3A_180 : memref<1x128x32xf32, #tpu.memory_space<vmem>> -> memref<128x32xf32, #tpu.memory_space<vmem>>
        tpu.wait_dma2 semaphore(%arg11 : memref<!tpu.dma_semaphore, #tpu.memory_space<semaphore_mem>>) src(%dma_wait3A_181 : memref<128x32xf32, #tpu.memory_space<vmem>>) dst(%dma_wait3A_177 : memref<128x32xf32, #tpu.memory_space<hbm>>)
        %mul3A_182 = arith.constant 8 : i32
        %mul3A_183 = arith.muli %sub3A_138, %mul3A_182 : i32
        %add3A_184 = arith.constant 2 : i32
        %add3A_185 = arith.addi %mul3A_183, %add3A_184 : i32
        %mul3A_186 = arith.constant 200 : i32
        %mul3A_187 = arith.muli %add3A, %mul3A_186 : i32
        %add3A_188 = arith.addi %mul3A_187, %add3A_185 : i32
        %mul3A_189 = arith.constant 128 : i32
        %mul3A_190 = arith.muli %add3A_188, %mul3A_189 : i32
        %dma_wait3A_191 = arith.constant 2 : i32
        %dma_wait3A_192 = arith.constant 0 : i32
        %dma_wait3A_193 = arith.constant 0 : i32
        %dma_wait3A_194 = tpu.memref_slice %arg7[%dma_wait3A_191, %dma_wait3A_192, %dma_wait3A_193] : memref<8x128x32xf32, #tpu.memory_space<vmem>> -> memref<1x128x32xf32, #tpu.memory_space<vmem>>
        %dma_wait3A_195 = tpu.memref_squeeze %dma_wait3A_194 : memref<1x128x32xf32, #tpu.memory_space<vmem>> -> memref<128x32xf32, #tpu.memory_space<vmem>>
        %dma_wait3A_196 = arith.constant 0 : i32
        %dma_wait3A_197 = tpu.memref_slice %arg4[%mul3A_190, %dma_wait3A_196] : memref<819200x32xf32, #tpu.memory_space<hbm>> -> memref<128x32xf32, #tpu.memory_space<hbm>>
        %dma_wait3A_198 = arith.constant 0 : i32
        %dma_wait3A_199 = tpu.memref_slice %arg4[%mul3A_190, %dma_wait3A_198] : memref<819200x32xf32, #tpu.memory_space<hbm>> -> memref<128x32xf32, #tpu.memory_space<hbm>>
        %dma_wait3A_200 = arith.constant 0 : i32
        %dma_wait3A_201 = arith.constant 0 : i32
        %dma_wait3A_202 = tpu.memref_slice %arg7[%dma_wait3A_191, %dma_wait3A_200, %dma_wait3A_201] : memref<8x128x32xf32, #tpu.memory_space<vmem>> -> memref<1x128x32xf32, #tpu.memory_space<vmem>>
        %dma_wait3A_203 = tpu.memref_squeeze %dma_wait3A_202 : memref<1x128x32xf32, #tpu.memory_space<vmem>> -> memref<128x32xf32, #tpu.memory_space<vmem>>
        tpu.wait_dma2 semaphore(%arg11 : memref<!tpu.dma_semaphore, #tpu.memory_space<semaphore_mem>>) src(%dma_wait3A_203 : memref<128x32xf32, #tpu.memory_space<vmem>>) dst(%dma_wait3A_199 : memref<128x32xf32, #tpu.memory_space<hbm>>)
        %mul3A_204 = arith.constant 8 : i32
        %mul3A_205 = arith.muli %sub3A_138, %mul3A_204 : i32
        %add3A_206 = arith.constant 3 : i32
        %add3A_207 = arith.addi %mul3A_205, %add3A_206 : i32
        %mul3A_208 = arith.constant 200 : i32
        %mul3A_209 = arith.muli %add3A, %mul3A_208 : i32
        %add3A_210 = arith.addi %mul3A_209, %add3A_207 : i32
        %mul3A_211 = arith.constant 128 : i32
        %mul3A_212 = arith.muli %add3A_210, %mul3A_211 : i32
        %dma_wait3A_213 = arith.constant 3 : i32
        %dma_wait3A_214 = arith.constant 0 : i32
        %dma_wait3A_215 = arith.constant 0 : i32
        %dma_wait3A_216 = tpu.memref_slice %arg7[%dma_wait3A_213, %dma_wait3A_214, %dma_wait3A_215] : memref<8x128x32xf32, #tpu.memory_space<vmem>> -> memref<1x128x32xf32, #tpu.memory_space<vmem>>
        %dma_wait3A_217 = tpu.memref_squeeze %dma_wait3A_216 : memref<1x128x32xf32, #tpu.memory_space<vmem>> -> memref<128x32xf32, #tpu.memory_space<vmem>>
        %dma_wait3A_218 = arith.constant 0 : i32
        %dma_wait3A_219 = tpu.memref_slice %arg4[%mul3A_212, %dma_wait3A_218] : memref<819200x32xf32, #tpu.memory_space<hbm>> -> memref<128x32xf32, #tpu.memory_space<hbm>>
        %dma_wait3A_220 = arith.constant 0 : i32
        %dma_wait3A_221 = tpu.memref_slice %arg4[%mul3A_212, %dma_wait3A_220] : memref<819200x32xf32, #tpu.memory_space<hbm>> -> memref<128x32xf32, #tpu.memory_space<hbm>>
        %dma_wait3A_222 = arith.constant 0 : i32
        %dma_wait3A_223 = arith.constant 0 : i32
        %dma_wait3A_224 = tpu.memref_slice %arg7[%dma_wait3A_213, %dma_wait3A_222, %dma_wait3A_223] : memref<8x128x32xf32, #tpu.memory_space<vmem>> -> memref<1x128x32xf32, #tpu.memory_space<vmem>>
        %dma_wait3A_225 = tpu.memref_squeeze %dma_wait3A_224 : memref<1x128x32xf32, #tpu.memory_space<vmem>> -> memref<128x32xf32, #tpu.memory_space<vmem>>
        tpu.wait_dma2 semaphore(%arg11 : memref<!tpu.dma_semaphore, #tpu.memory_space<semaphore_mem>>) src(%dma_wait3A_225 : memref<128x32xf32, #tpu.memory_space<vmem>>) dst(%dma_wait3A_221 : memref<128x32xf32, #tpu.memory_space<hbm>>)
        %mul3A_226 = arith.constant 8 : i32
        %mul3A_227 = arith.muli %sub3A_138, %mul3A_226 : i32
        %add3A_228 = arith.constant 4 : i32
        %add3A_229 = arith.addi %mul3A_227, %add3A_228 : i32
        %mul3A_230 = arith.constant 200 : i32
        %mul3A_231 = arith.muli %add3A, %mul3A_230 : i32
        %add3A_232 = arith.addi %mul3A_231, %add3A_229 : i32
        %mul3A_233 = arith.constant 128 : i32
        %mul3A_234 = arith.muli %add3A_232, %mul3A_233 : i32
        %dma_wait3A_235 = arith.constant 4 : i32
        %dma_wait3A_236 = arith.constant 0 : i32
        %dma_wait3A_237 = arith.constant 0 : i32
        %dma_wait3A_238 = tpu.memref_slice %arg7[%dma_wait3A_235, %dma_wait3A_236, %dma_wait3A_237] : memref<8x128x32xf32, #tpu.memory_space<vmem>> -> memref<1x128x32xf32, #tpu.memory_space<vmem>>
        %dma_wait3A_239 = tpu.memref_squeeze %dma_wait3A_238 : memref<1x128x32xf32, #tpu.memory_space<vmem>> -> memref<128x32xf32, #tpu.memory_space<vmem>>
        %dma_wait3A_240 = arith.constant 0 : i32
        %dma_wait3A_241 = tpu.memref_slice %arg4[%mul3A_234, %dma_wait3A_240] : memref<819200x32xf32, #tpu.memory_space<hbm>> -> memref<128x32xf32, #tpu.memory_space<hbm>>
        %dma_wait3A_242 = arith.constant 0 : i32
        %dma_wait3A_243 = tpu.memref_slice %arg4[%mul3A_234, %dma_wait3A_242] : memref<819200x32xf32, #tpu.memory_space<hbm>> -> memref<128x32xf32, #tpu.memory_space<hbm>>
        %dma_wait3A_244 = arith.constant 0 : i32
        %dma_wait3A_245 = arith.constant 0 : i32
        %dma_wait3A_246 = tpu.memref_slice %arg7[%dma_wait3A_235, %dma_wait3A_244, %dma_wait3A_245] : memref<8x128x32xf32, #tpu.memory_space<vmem>> -> memref<1x128x32xf32, #tpu.memory_space<vmem>>
        %dma_wait3A_247 = tpu.memref_squeeze %dma_wait3A_246 : memref<1x128x32xf32, #tpu.memory_space<vmem>> -> memref<128x32xf32, #tpu.memory_space<vmem>>
        tpu.wait_dma2 semaphore(%arg11 : memref<!tpu.dma_semaphore, #tpu.memory_space<semaphore_mem>>) src(%dma_wait3A_247 : memref<128x32xf32, #tpu.memory_space<vmem>>) dst(%dma_wait3A_243 : memref<128x32xf32, #tpu.memory_space<hbm>>)
        %mul3A_248 = arith.constant 8 : i32
        %mul3A_249 = arith.muli %sub3A_138, %mul3A_248 : i32
        %add3A_250 = arith.constant 5 : i32
        %add3A_251 = arith.addi %mul3A_249, %add3A_250 : i32
        %mul3A_252 = arith.constant 200 : i32
        %mul3A_253 = arith.muli %add3A, %mul3A_252 : i32
        %add3A_254 = arith.addi %mul3A_253, %add3A_251 : i32
        %mul3A_255 = arith.constant 128 : i32
        %mul3A_256 = arith.muli %add3A_254, %mul3A_255 : i32
        %dma_wait3A_257 = arith.constant 5 : i32
        %dma_wait3A_258 = arith.constant 0 : i32
        %dma_wait3A_259 = arith.constant 0 : i32
        %dma_wait3A_260 = tpu.memref_slice %arg7[%dma_wait3A_257, %dma_wait3A_258, %dma_wait3A_259] : memref<8x128x32xf32, #tpu.memory_space<vmem>> -> memref<1x128x32xf32, #tpu.memory_space<vmem>>
        %dma_wait3A_261 = tpu.memref_squeeze %dma_wait3A_260 : memref<1x128x32xf32, #tpu.memory_space<vmem>> -> memref<128x32xf32, #tpu.memory_space<vmem>>
        %dma_wait3A_262 = arith.constant 0 : i32
        %dma_wait3A_263 = tpu.memref_slice %arg4[%mul3A_256, %dma_wait3A_262] : memref<819200x32xf32, #tpu.memory_space<hbm>> -> memref<128x32xf32, #tpu.memory_space<hbm>>
        %dma_wait3A_264 = arith.constant 0 : i32
        %dma_wait3A_265 = tpu.memref_slice %arg4[%mul3A_256, %dma_wait3A_264] : memref<819200x32xf32, #tpu.memory_space<hbm>> -> memref<128x32xf32, #tpu.memory_space<hbm>>
        %dma_wait3A_266 = arith.constant 0 : i32
        %dma_wait3A_267 = arith.constant 0 : i32
        %dma_wait3A_268 = tpu.memref_slice %arg7[%dma_wait3A_257, %dma_wait3A_266, %dma_wait3A_267] : memref<8x128x32xf32, #tpu.memory_space<vmem>> -> memref<1x128x32xf32, #tpu.memory_space<vmem>>
        %dma_wait3A_269 = tpu.memref_squeeze %dma_wait3A_268 : memref<1x128x32xf32, #tpu.memory_space<vmem>> -> memref<128x32xf32, #tpu.memory_space<vmem>>
        tpu.wait_dma2 semaphore(%arg11 : memref<!tpu.dma_semaphore, #tpu.memory_space<semaphore_mem>>) src(%dma_wait3A_269 : memref<128x32xf32, #tpu.memory_space<vmem>>) dst(%dma_wait3A_265 : memref<128x32xf32, #tpu.memory_space<hbm>>)
        %mul3A_270 = arith.constant 8 : i32
        %mul3A_271 = arith.muli %sub3A_138, %mul3A_270 : i32
        %add3A_272 = arith.constant 6 : i32
        %add3A_273 = arith.addi %mul3A_271, %add3A_272 : i32
        %mul3A_274 = arith.constant 200 : i32
        %mul3A_275 = arith.muli %add3A, %mul3A_274 : i32
        %add3A_276 = arith.addi %mul3A_275, %add3A_273 : i32
        %mul3A_277 = arith.constant 128 : i32
        %mul3A_278 = arith.muli %add3A_276, %mul3A_277 : i32
        %dma_wait3A_279 = arith.constant 6 : i32
        %dma_wait3A_280 = arith.constant 0 : i32
        %dma_wait3A_281 = arith.constant 0 : i32
        %dma_wait3A_282 = tpu.memref_slice %arg7[%dma_wait3A_279, %dma_wait3A_280, %dma_wait3A_281] : memref<8x128x32xf32, #tpu.memory_space<vmem>> -> memref<1x128x32xf32, #tpu.memory_space<vmem>>
        %dma_wait3A_283 = tpu.memref_squeeze %dma_wait3A_282 : memref<1x128x32xf32, #tpu.memory_space<vmem>> -> memref<128x32xf32, #tpu.memory_space<vmem>>
        %dma_wait3A_284 = arith.constant 0 : i32
        %dma_wait3A_285 = tpu.memref_slice %arg4[%mul3A_278, %dma_wait3A_284] : memref<819200x32xf32, #tpu.memory_space<hbm>> -> memref<128x32xf32, #tpu.memory_space<hbm>>
        %dma_wait3A_286 = arith.constant 0 : i32
        %dma_wait3A_287 = tpu.memref_slice %arg4[%mul3A_278, %dma_wait3A_286] : memref<819200x32xf32, #tpu.memory_space<hbm>> -> memref<128x32xf32, #tpu.memory_space<hbm>>
        %dma_wait3A_288 = arith.constant 0 : i32
        %dma_wait3A_289 = arith.constant 0 : i32
        %dma_wait3A_290 = tpu.memref_slice %arg7[%dma_wait3A_279, %dma_wait3A_288, %dma_wait3A_289] : memref<8x128x32xf32, #tpu.memory_space<vmem>> -> memref<1x128x32xf32, #tpu.memory_space<vmem>>
        %dma_wait3A_291 = tpu.memref_squeeze %dma_wait3A_290 : memref<1x128x32xf32, #tpu.memory_space<vmem>> -> memref<128x32xf32, #tpu.memory_space<vmem>>
        tpu.wait_dma2 semaphore(%arg11 : memref<!tpu.dma_semaphore, #tpu.memory_space<semaphore_mem>>) src(%dma_wait3A_291 : memref<128x32xf32, #tpu.memory_space<vmem>>) dst(%dma_wait3A_287 : memref<128x32xf32, #tpu.memory_space<hbm>>)
        %mul3A_292 = arith.constant 8 : i32
        %mul3A_293 = arith.muli %sub3A_138, %mul3A_292 : i32
        %add3A_294 = arith.constant 7 : i32
        %add3A_295 = arith.addi %mul3A_293, %add3A_294 : i32
        %mul3A_296 = arith.constant 200 : i32
        %mul3A_297 = arith.muli %add3A, %mul3A_296 : i32
        %add3A_298 = arith.addi %mul3A_297, %add3A_295 : i32
        %mul3A_299 = arith.constant 128 : i32
        %mul3A_300 = arith.muli %add3A_298, %mul3A_299 : i32
        %dma_wait3A_301 = arith.constant 7 : i32
        %dma_wait3A_302 = arith.constant 0 : i32
        %dma_wait3A_303 = arith.constant 0 : i32
        %dma_wait3A_304 = tpu.memref_slice %arg7[%dma_wait3A_301, %dma_wait3A_302, %dma_wait3A_303] : memref<8x128x32xf32, #tpu.memory_space<vmem>> -> memref<1x128x32xf32, #tpu.memory_space<vmem>>
        %dma_wait3A_305 = tpu.memref_squeeze %dma_wait3A_304 : memref<1x128x32xf32, #tpu.memory_space<vmem>> -> memref<128x32xf32, #tpu.memory_space<vmem>>
        %dma_wait3A_306 = arith.constant 0 : i32
        %dma_wait3A_307 = tpu.memref_slice %arg4[%mul3A_300, %dma_wait3A_306] : memref<819200x32xf32, #tpu.memory_space<hbm>> -> memref<128x32xf32, #tpu.memory_space<hbm>>
        %dma_wait3A_308 = arith.constant 0 : i32
        %dma_wait3A_309 = tpu.memref_slice %arg4[%mul3A_300, %dma_wait3A_308] : memref<819200x32xf32, #tpu.memory_space<hbm>> -> memref<128x32xf32, #tpu.memory_space<hbm>>
        %dma_wait3A_310 = arith.constant 0 : i32
        %dma_wait3A_311 = arith.constant 0 : i32
        %dma_wait3A_312 = tpu.memref_slice %arg7[%dma_wait3A_301, %dma_wait3A_310, %dma_wait3A_311] : memref<8x128x32xf32, #tpu.memory_space<vmem>> -> memref<1x128x32xf32, #tpu.memory_space<vmem>>
        %dma_wait3A_313 = tpu.memref_squeeze %dma_wait3A_312 : memref<1x128x32xf32, #tpu.memory_space<vmem>> -> memref<128x32xf32, #tpu.memory_space<vmem>>
        tpu.wait_dma2 semaphore(%arg11 : memref<!tpu.dma_semaphore, #tpu.memory_space<semaphore_mem>>) src(%dma_wait3A_313 : memref<128x32xf32, #tpu.memory_space<vmem>>) dst(%dma_wait3A_309 : memref<128x32xf32, #tpu.memory_space<hbm>>)
      } else {
      }
      %add3A_110 = arith.constant 1 : i32
      %add3A_111 = arith.addi %mul3A_103, %add3A_110 : i32
      %lt3A_112 = arith.constant 25 : i32
      %lt3A_113 = arith.cmpi slt, %add3A_111, %lt3A_112 : i32
      %convert_element_type3A_114 = arith.extui %lt3A_113 : i1 to i32
      %cond3A_115 = arith.constant 0 : i32
      %cond3A_116 = arith.cmpi ne, %convert_element_type3A_114, %cond3A_115 : i32
      scf.if %cond3A_116 {
        %add3A_138 = arith.constant 1 : i32
        %add3A_139 = arith.addi %mul3A_103, %add3A_138 : i32
        %mul3A_140 = arith.constant 8 : i32
        %mul3A_141 = arith.muli %add3A_139, %mul3A_140 : i32
        %add3A_142 = arith.constant 0 : i32
        %add3A_143 = arith.addi %mul3A_141, %add3A_142 : i32
        %dma_start3A_144 = arith.constant 0 : i32
        %dma_start3A_145 = arith.constant 0 : i32
        %dma_start3A_146 = arith.constant 0 : i32
        %dma_start3A_147 = tpu.memref_slice %arg7[%dma_start3A_144, %dma_start3A_145, %dma_start3A_146] : memref<8x128x32xf32, #tpu.memory_space<vmem>> -> memref<1x128x32xf32, #tpu.memory_space<vmem>>
        %dma_start3A_148 = tpu.memref_squeeze %dma_start3A_147 : memref<1x128x32xf32, #tpu.memory_space<vmem>> -> memref<128x32xf32, #tpu.memory_space<vmem>>
        %dma_start3A_149 = arith.constant 0 : i32
        %dma_start3A_150 = tpu.memref_slice %arg5[%add3A_143, %dma_start3A_149] : memref<200x128xi32, #tpu.memory_space<vmem>> -> memref<1x128xi32, #tpu.memory_space<vmem>>
        %dma_start3A_151 = tpu.memref_squeeze %dma_start3A_150 : memref<1x128xi32, #tpu.memory_space<vmem>> -> memref<128xi32, #tpu.memory_space<vmem>>
        %dma_start3A_152 = arith.constant 0 : i32
        %dma_start3A_153 = arith.constant 0 : i32
        %dma_start3A_154 = tpu.memref_slice %arg3[%dma_start3A_152, %dma_start3A_153] : memref<1000000x32xf32, #tpu.memory_space<hbm>> -> memref<1000000x32xf32, #tpu.memory_space<hbm>>
        tpu.enqueue_indirect_dma source(%dma_start3A_154 : memref<1000000x32xf32, #tpu.memory_space<hbm>>) target(%dma_start3A_148 : memref<128x32xf32, #tpu.memory_space<vmem>>) offsets(%dma_start3A_151 : memref<128xi32, #tpu.memory_space<vmem>>) semaphore(%arg9 : memref<!tpu.dma_semaphore, #tpu.memory_space<semaphore_mem>>)
        %mul3A_155 = arith.constant 8 : i32
        %mul3A_156 = arith.muli %add3A_139, %mul3A_155 : i32
        %add3A_157 = arith.constant 1 : i32
        %add3A_158 = arith.addi %mul3A_156, %add3A_157 : i32
        %dma_start3A_159 = arith.constant 1 : i32
        %dma_start3A_160 = arith.constant 0 : i32
        %dma_start3A_161 = arith.constant 0 : i32
        %dma_start3A_162 = tpu.memref_slice %arg7[%dma_start3A_159, %dma_start3A_160, %dma_start3A_161] : memref<8x128x32xf32, #tpu.memory_space<vmem>> -> memref<1x128x32xf32, #tpu.memory_space<vmem>>
        %dma_start3A_163 = tpu.memref_squeeze %dma_start3A_162 : memref<1x128x32xf32, #tpu.memory_space<vmem>> -> memref<128x32xf32, #tpu.memory_space<vmem>>
        %dma_start3A_164 = arith.constant 0 : i32
        %dma_start3A_165 = tpu.memref_slice %arg5[%add3A_158, %dma_start3A_164] : memref<200x128xi32, #tpu.memory_space<vmem>> -> memref<1x128xi32, #tpu.memory_space<vmem>>
        %dma_start3A_166 = tpu.memref_squeeze %dma_start3A_165 : memref<1x128xi32, #tpu.memory_space<vmem>> -> memref<128xi32, #tpu.memory_space<vmem>>
        %dma_start3A_167 = arith.constant 0 : i32
        %dma_start3A_168 = arith.constant 0 : i32
        %dma_start3A_169 = tpu.memref_slice %arg3[%dma_start3A_167, %dma_start3A_168] : memref<1000000x32xf32, #tpu.memory_space<hbm>> -> memref<1000000x32xf32, #tpu.memory_space<hbm>>
        tpu.enqueue_indirect_dma source(%dma_start3A_169 : memref<1000000x32xf32, #tpu.memory_space<hbm>>) target(%dma_start3A_163 : memref<128x32xf32, #tpu.memory_space<vmem>>) offsets(%dma_start3A_166 : memref<128xi32, #tpu.memory_space<vmem>>) semaphore(%arg9 : memref<!tpu.dma_semaphore, #tpu.memory_space<semaphore_mem>>)
        %mul3A_170 = arith.constant 8 : i32
        %mul3A_171 = arith.muli %add3A_139, %mul3A_170 : i32
        %add3A_172 = arith.constant 2 : i32
        %add3A_173 = arith.addi %mul3A_171, %add3A_172 : i32
        %dma_start3A_174 = arith.constant 2 : i32
        %dma_start3A_175 = arith.constant 0 : i32
        %dma_start3A_176 = arith.constant 0 : i32
        %dma_start3A_177 = tpu.memref_slice %arg7[%dma_start3A_174, %dma_start3A_175, %dma_start3A_176] : memref<8x128x32xf32, #tpu.memory_space<vmem>> -> memref<1x128x32xf32, #tpu.memory_space<vmem>>
        %dma_start3A_178 = tpu.memref_squeeze %dma_start3A_177 : memref<1x128x32xf32, #tpu.memory_space<vmem>> -> memref<128x32xf32, #tpu.memory_space<vmem>>
        %dma_start3A_179 = arith.constant 0 : i32
        %dma_start3A_180 = tpu.memref_slice %arg5[%add3A_173, %dma_start3A_179] : memref<200x128xi32, #tpu.memory_space<vmem>> -> memref<1x128xi32, #tpu.memory_space<vmem>>
        %dma_start3A_181 = tpu.memref_squeeze %dma_start3A_180 : memref<1x128xi32, #tpu.memory_space<vmem>> -> memref<128xi32, #tpu.memory_space<vmem>>
        %dma_start3A_182 = arith.constant 0 : i32
        %dma_start3A_183 = arith.constant 0 : i32
        %dma_start3A_184 = tpu.memref_slice %arg3[%dma_start3A_182, %dma_start3A_183] : memref<1000000x32xf32, #tpu.memory_space<hbm>> -> memref<1000000x32xf32, #tpu.memory_space<hbm>>
        tpu.enqueue_indirect_dma source(%dma_start3A_184 : memref<1000000x32xf32, #tpu.memory_space<hbm>>) target(%dma_start3A_178 : memref<128x32xf32, #tpu.memory_space<vmem>>) offsets(%dma_start3A_181 : memref<128xi32, #tpu.memory_space<vmem>>) semaphore(%arg9 : memref<!tpu.dma_semaphore, #tpu.memory_space<semaphore_mem>>)
        %mul3A_185 = arith.constant 8 : i32
        %mul3A_186 = arith.muli %add3A_139, %mul3A_185 : i32
        %add3A_187 = arith.constant 3 : i32
        %add3A_188 = arith.addi %mul3A_186, %add3A_187 : i32
        %dma_start3A_189 = arith.constant 3 : i32
        %dma_start3A_190 = arith.constant 0 : i32
        %dma_start3A_191 = arith.constant 0 : i32
        %dma_start3A_192 = tpu.memref_slice %arg7[%dma_start3A_189, %dma_start3A_190, %dma_start3A_191] : memref<8x128x32xf32, #tpu.memory_space<vmem>> -> memref<1x128x32xf32, #tpu.memory_space<vmem>>
        %dma_start3A_193 = tpu.memref_squeeze %dma_start3A_192 : memref<1x128x32xf32, #tpu.memory_space<vmem>> -> memref<128x32xf32, #tpu.memory_space<vmem>>
        %dma_start3A_194 = arith.constant 0 : i32
        %dma_start3A_195 = tpu.memref_slice %arg5[%add3A_188, %dma_start3A_194] : memref<200x128xi32, #tpu.memory_space<vmem>> -> memref<1x128xi32, #tpu.memory_space<vmem>>
        %dma_start3A_196 = tpu.memref_squeeze %dma_start3A_195 : memref<1x128xi32, #tpu.memory_space<vmem>> -> memref<128xi32, #tpu.memory_space<vmem>>
        %dma_start3A_197 = arith.constant 0 : i32
        %dma_start3A_198 = arith.constant 0 : i32
        %dma_start3A_199 = tpu.memref_slice %arg3[%dma_start3A_197, %dma_start3A_198] : memref<1000000x32xf32, #tpu.memory_space<hbm>> -> memref<1000000x32xf32, #tpu.memory_space<hbm>>
        tpu.enqueue_indirect_dma source(%dma_start3A_199 : memref<1000000x32xf32, #tpu.memory_space<hbm>>) target(%dma_start3A_193 : memref<128x32xf32, #tpu.memory_space<vmem>>) offsets(%dma_start3A_196 : memref<128xi32, #tpu.memory_space<vmem>>) semaphore(%arg9 : memref<!tpu.dma_semaphore, #tpu.memory_space<semaphore_mem>>)
        %mul3A_200 = arith.constant 8 : i32
        %mul3A_201 = arith.muli %add3A_139, %mul3A_200 : i32
        %add3A_202 = arith.constant 4 : i32
        %add3A_203 = arith.addi %mul3A_201, %add3A_202 : i32
        %dma_start3A_204 = arith.constant 4 : i32
        %dma_start3A_205 = arith.constant 0 : i32
        %dma_start3A_206 = arith.constant 0 : i32
        %dma_start3A_207 = tpu.memref_slice %arg7[%dma_start3A_204, %dma_start3A_205, %dma_start3A_206] : memref<8x128x32xf32, #tpu.memory_space<vmem>> -> memref<1x128x32xf32, #tpu.memory_space<vmem>>
        %dma_start3A_208 = tpu.memref_squeeze %dma_start3A_207 : memref<1x128x32xf32, #tpu.memory_space<vmem>> -> memref<128x32xf32, #tpu.memory_space<vmem>>
        %dma_start3A_209 = arith.constant 0 : i32
        %dma_start3A_210 = tpu.memref_slice %arg5[%add3A_203, %dma_start3A_209] : memref<200x128xi32, #tpu.memory_space<vmem>> -> memref<1x128xi32, #tpu.memory_space<vmem>>
        %dma_start3A_211 = tpu.memref_squeeze %dma_start3A_210 : memref<1x128xi32, #tpu.memory_space<vmem>> -> memref<128xi32, #tpu.memory_space<vmem>>
        %dma_start3A_212 = arith.constant 0 : i32
        %dma_start3A_213 = arith.constant 0 : i32
        %dma_start3A_214 = tpu.memref_slice %arg3[%dma_start3A_212, %dma_start3A_213] : memref<1000000x32xf32, #tpu.memory_space<hbm>> -> memref<1000000x32xf32, #tpu.memory_space<hbm>>
        tpu.enqueue_indirect_dma source(%dma_start3A_214 : memref<1000000x32xf32, #tpu.memory_space<hbm>>) target(%dma_start3A_208 : memref<128x32xf32, #tpu.memory_space<vmem>>) offsets(%dma_start3A_211 : memref<128xi32, #tpu.memory_space<vmem>>) semaphore(%arg9 : memref<!tpu.dma_semaphore, #tpu.memory_space<semaphore_mem>>)
        %mul3A_215 = arith.constant 8 : i32
        %mul3A_216 = arith.muli %add3A_139, %mul3A_215 : i32
        %add3A_217 = arith.constant 5 : i32
        %add3A_218 = arith.addi %mul3A_216, %add3A_217 : i32
        %dma_start3A_219 = arith.constant 5 : i32
        %dma_start3A_220 = arith.constant 0 : i32
        %dma_start3A_221 = arith.constant 0 : i32
        %dma_start3A_222 = tpu.memref_slice %arg7[%dma_start3A_219, %dma_start3A_220, %dma_start3A_221] : memref<8x128x32xf32, #tpu.memory_space<vmem>> -> memref<1x128x32xf32, #tpu.memory_space<vmem>>
        %dma_start3A_223 = tpu.memref_squeeze %dma_start3A_222 : memref<1x128x32xf32, #tpu.memory_space<vmem>> -> memref<128x32xf32, #tpu.memory_space<vmem>>
        %dma_start3A_224 = arith.constant 0 : i32
        %dma_start3A_225 = tpu.memref_slice %arg5[%add3A_218, %dma_start3A_224] : memref<200x128xi32, #tpu.memory_space<vmem>> -> memref<1x128xi32, #tpu.memory_space<vmem>>
        %dma_start3A_226 = tpu.memref_squeeze %dma_start3A_225 : memref<1x128xi32, #tpu.memory_space<vmem>> -> memref<128xi32, #tpu.memory_space<vmem>>
        %dma_start3A_227 = arith.constant 0 : i32
        %dma_start3A_228 = arith.constant 0 : i32
        %dma_start3A_229 = tpu.memref_slice %arg3[%dma_start3A_227, %dma_start3A_228] : memref<1000000x32xf32, #tpu.memory_space<hbm>> -> memref<1000000x32xf32, #tpu.memory_space<hbm>>
        tpu.enqueue_indirect_dma source(%dma_start3A_229 : memref<1000000x32xf32, #tpu.memory_space<hbm>>) target(%dma_start3A_223 : memref<128x32xf32, #tpu.memory_space<vmem>>) offsets(%dma_start3A_226 : memref<128xi32, #tpu.memory_space<vmem>>) semaphore(%arg9 : memref<!tpu.dma_semaphore, #tpu.memory_space<semaphore_mem>>)
        %mul3A_230 = arith.constant 8 : i32
        %mul3A_231 = arith.muli %add3A_139, %mul3A_230 : i32
        %add3A_232 = arith.constant 6 : i32
        %add3A_233 = arith.addi %mul3A_231, %add3A_232 : i32
        %dma_start3A_234 = arith.constant 6 : i32
        %dma_start3A_235 = arith.constant 0 : i32
        %dma_start3A_236 = arith.constant 0 : i32
        %dma_start3A_237 = tpu.memref_slice %arg7[%dma_start3A_234, %dma_start3A_235, %dma_start3A_236] : memref<8x128x32xf32, #tpu.memory_space<vmem>> -> memref<1x128x32xf32, #tpu.memory_space<vmem>>
        %dma_start3A_238 = tpu.memref_squeeze %dma_start3A_237 : memref<1x128x32xf32, #tpu.memory_space<vmem>> -> memref<128x32xf32, #tpu.memory_space<vmem>>
        %dma_start3A_239 = arith.constant 0 : i32
        %dma_start3A_240 = tpu.memref_slice %arg5[%add3A_233, %dma_start3A_239] : memref<200x128xi32, #tpu.memory_space<vmem>> -> memref<1x128xi32, #tpu.memory_space<vmem>>
        %dma_start3A_241 = tpu.memref_squeeze %dma_start3A_240 : memref<1x128xi32, #tpu.memory_space<vmem>> -> memref<128xi32, #tpu.memory_space<vmem>>
        %dma_start3A_242 = arith.constant 0 : i32
        %dma_start3A_243 = arith.constant 0 : i32
        %dma_start3A_244 = tpu.memref_slice %arg3[%dma_start3A_242, %dma_start3A_243] : memref<1000000x32xf32, #tpu.memory_space<hbm>> -> memref<1000000x32xf32, #tpu.memory_space<hbm>>
        tpu.enqueue_indirect_dma source(%dma_start3A_244 : memref<1000000x32xf32, #tpu.memory_space<hbm>>) target(%dma_start3A_238 : memref<128x32xf32, #tpu.memory_space<vmem>>) offsets(%dma_start3A_241 : memref<128xi32, #tpu.memory_space<vmem>>) semaphore(%arg9 : memref<!tpu.dma_semaphore, #tpu.memory_space<semaphore_mem>>)
        %mul3A_245 = arith.constant 8 : i32
        %mul3A_246 = arith.muli %add3A_139, %mul3A_245 : i32
        %add3A_247 = arith.constant 7 : i32
        %add3A_248 = arith.addi %mul3A_246, %add3A_247 : i32
        %dma_start3A_249 = arith.constant 7 : i32
        %dma_start3A_250 = arith.constant 0 : i32
        %dma_start3A_251 = arith.constant 0 : i32
        %dma_start3A_252 = tpu.memref_slice %arg7[%dma_start3A_249, %dma_start3A_250, %dma_start3A_251] : memref<8x128x32xf32, #tpu.memory_space<vmem>> -> memref<1x128x32xf32, #tpu.memory_space<vmem>>
        %dma_start3A_253 = tpu.memref_squeeze %dma_start3A_252 : memref<1x128x32xf32, #tpu.memory_space<vmem>> -> memref<128x32xf32, #tpu.memory_space<vmem>>
        %dma_start3A_254 = arith.constant 0 : i32
        %dma_start3A_255 = tpu.memref_slice %arg5[%add3A_248, %dma_start3A_254] : memref<200x128xi32, #tpu.memory_space<vmem>> -> memref<1x128xi32, #tpu.memory_space<vmem>>
        %dma_start3A_256 = tpu.memref_squeeze %dma_start3A_255 : memref<1x128xi32, #tpu.memory_space<vmem>> -> memref<128xi32, #tpu.memory_space<vmem>>
        %dma_start3A_257 = arith.constant 0 : i32
        %dma_start3A_258 = arith.constant 0 : i32
        %dma_start3A_259 = tpu.memref_slice %arg3[%dma_start3A_257, %dma_start3A_258] : memref<1000000x32xf32, #tpu.memory_space<hbm>> -> memref<1000000x32xf32, #tpu.memory_space<hbm>>
        tpu.enqueue_indirect_dma source(%dma_start3A_259 : memref<1000000x32xf32, #tpu.memory_space<hbm>>) target(%dma_start3A_253 : memref<128x32xf32, #tpu.memory_space<vmem>>) offsets(%dma_start3A_256 : memref<128xi32, #tpu.memory_space<vmem>>) semaphore(%arg9 : memref<!tpu.dma_semaphore, #tpu.memory_space<semaphore_mem>>)
      } else {
      }
      %mul3A_117 = arith.constant 2 : i32
      %mul3A_118 = arith.muli %mul3A_117, %scan3A_101 : i32
      %add3A_119 = arith.constant 1 : i32
      %add3A_120 = arith.addi %mul3A_118, %add3A_119 : i32
      %lt3A_121 = arith.constant 25 : i32
      %lt3A_122 = arith.cmpi slt, %add3A_120, %lt3A_121 : i32
      %convert_element_type3A_123 = arith.extui %lt3A_122 : i1 to i32
      %cond3A_124 = arith.constant 0 : i32
      %cond3A_125 = arith.cmpi ne, %convert_element_type3A_123, %cond3A_124 : i32
      scf.if %cond3A_125 {
        %mul3A_138 = arith.constant 8 : i32
        %mul3A_139 = arith.muli %add3A_120, %mul3A_138 : i32
        %add3A_140 = arith.constant 0 : i32
        %add3A_141 = arith.addi %mul3A_139, %add3A_140 : i32
        %dma_wait3A = arith.constant 0 : i32
        %dma_wait3A_142 = arith.constant 0 : i32
        %dma_wait3A_143 = arith.constant 0 : i32
        %dma_wait3A_144 = tpu.memref_slice %arg7[%dma_wait3A, %dma_wait3A_142, %dma_wait3A_143] : memref<8x128x32xf32, #tpu.memory_space<vmem>> -> memref<1x128x32xf32, #tpu.memory_space<vmem>>
        %dma_wait3A_145 = tpu.memref_squeeze %dma_wait3A_144 : memref<1x128x32xf32, #tpu.memory_space<vmem>> -> memref<128x32xf32, #tpu.memory_space<vmem>>
        %dma_wait3A_146 = arith.constant 0 : i32
        %dma_wait3A_147 = tpu.memref_slice %arg5[%add3A_141, %dma_wait3A_146] : memref<200x128xi32, #tpu.memory_space<vmem>> -> memref<1x128xi32, #tpu.memory_space<vmem>>
        %dma_wait3A_148 = tpu.memref_squeeze %dma_wait3A_147 : memref<1x128xi32, #tpu.memory_space<vmem>> -> memref<128xi32, #tpu.memory_space<vmem>>
        %dma_wait3A_149 = arith.constant 0 : i32
        %dma_wait3A_150 = arith.constant 0 : i32
        %dma_wait3A_151 = tpu.memref_slice %arg3[%dma_wait3A_149, %dma_wait3A_150] : memref<1000000x32xf32, #tpu.memory_space<hbm>> -> memref<1000000x32xf32, #tpu.memory_space<hbm>>
        tpu.wait_indirect_dma semaphore(%arg9 : memref<!tpu.dma_semaphore, #tpu.memory_space<semaphore_mem>>) src(%dma_wait3A_151 : memref<1000000x32xf32, #tpu.memory_space<hbm>>) dst(%dma_wait3A_145 : memref<128x32xf32, #tpu.memory_space<vmem>>)
        %mul3A_152 = arith.constant 8 : i32
        %mul3A_153 = arith.muli %add3A_120, %mul3A_152 : i32
        %add3A_154 = arith.constant 1 : i32
        %add3A_155 = arith.addi %mul3A_153, %add3A_154 : i32
        %dma_wait3A_156 = arith.constant 1 : i32
        %dma_wait3A_157 = arith.constant 0 : i32
        %dma_wait3A_158 = arith.constant 0 : i32
        %dma_wait3A_159 = tpu.memref_slice %arg7[%dma_wait3A_156, %dma_wait3A_157, %dma_wait3A_158] : memref<8x128x32xf32, #tpu.memory_space<vmem>> -> memref<1x128x32xf32, #tpu.memory_space<vmem>>
        %dma_wait3A_160 = tpu.memref_squeeze %dma_wait3A_159 : memref<1x128x32xf32, #tpu.memory_space<vmem>> -> memref<128x32xf32, #tpu.memory_space<vmem>>
        %dma_wait3A_161 = arith.constant 0 : i32
        %dma_wait3A_162 = tpu.memref_slice %arg5[%add3A_155, %dma_wait3A_161] : memref<200x128xi32, #tpu.memory_space<vmem>> -> memref<1x128xi32, #tpu.memory_space<vmem>>
        %dma_wait3A_163 = tpu.memref_squeeze %dma_wait3A_162 : memref<1x128xi32, #tpu.memory_space<vmem>> -> memref<128xi32, #tpu.memory_space<vmem>>
        %dma_wait3A_164 = arith.constant 0 : i32
        %dma_wait3A_165 = arith.constant 0 : i32
        %dma_wait3A_166 = tpu.memref_slice %arg3[%dma_wait3A_164, %dma_wait3A_165] : memref<1000000x32xf32, #tpu.memory_space<hbm>> -> memref<1000000x32xf32, #tpu.memory_space<hbm>>
        tpu.wait_indirect_dma semaphore(%arg9 : memref<!tpu.dma_semaphore, #tpu.memory_space<semaphore_mem>>) src(%dma_wait3A_166 : memref<1000000x32xf32, #tpu.memory_space<hbm>>) dst(%dma_wait3A_160 : memref<128x32xf32, #tpu.memory_space<vmem>>)
        %mul3A_167 = arith.constant 8 : i32
        %mul3A_168 = arith.muli %add3A_120, %mul3A_167 : i32
        %add3A_169 = arith.constant 2 : i32
        %add3A_170 = arith.addi %mul3A_168, %add3A_169 : i32
        %dma_wait3A_171 = arith.constant 2 : i32
        %dma_wait3A_172 = arith.constant 0 : i32
        %dma_wait3A_173 = arith.constant 0 : i32
        %dma_wait3A_174 = tpu.memref_slice %arg7[%dma_wait3A_171, %dma_wait3A_172, %dma_wait3A_173] : memref<8x128x32xf32, #tpu.memory_space<vmem>> -> memref<1x128x32xf32, #tpu.memory_space<vmem>>
        %dma_wait3A_175 = tpu.memref_squeeze %dma_wait3A_174 : memref<1x128x32xf32, #tpu.memory_space<vmem>> -> memref<128x32xf32, #tpu.memory_space<vmem>>
        %dma_wait3A_176 = arith.constant 0 : i32
        %dma_wait3A_177 = tpu.memref_slice %arg5[%add3A_170, %dma_wait3A_176] : memref<200x128xi32, #tpu.memory_space<vmem>> -> memref<1x128xi32, #tpu.memory_space<vmem>>
        %dma_wait3A_178 = tpu.memref_squeeze %dma_wait3A_177 : memref<1x128xi32, #tpu.memory_space<vmem>> -> memref<128xi32, #tpu.memory_space<vmem>>
        %dma_wait3A_179 = arith.constant 0 : i32
        %dma_wait3A_180 = arith.constant 0 : i32
        %dma_wait3A_181 = tpu.memref_slice %arg3[%dma_wait3A_179, %dma_wait3A_180] : memref<1000000x32xf32, #tpu.memory_space<hbm>> -> memref<1000000x32xf32, #tpu.memory_space<hbm>>
        tpu.wait_indirect_dma semaphore(%arg9 : memref<!tpu.dma_semaphore, #tpu.memory_space<semaphore_mem>>) src(%dma_wait3A_181 : memref<1000000x32xf32, #tpu.memory_space<hbm>>) dst(%dma_wait3A_175 : memref<128x32xf32, #tpu.memory_space<vmem>>)
        %mul3A_182 = arith.constant 8 : i32
        %mul3A_183 = arith.muli %add3A_120, %mul3A_182 : i32
        %add3A_184 = arith.constant 3 : i32
        %add3A_185 = arith.addi %mul3A_183, %add3A_184 : i32
        %dma_wait3A_186 = arith.constant 3 : i32
        %dma_wait3A_187 = arith.constant 0 : i32
        %dma_wait3A_188 = arith.constant 0 : i32
        %dma_wait3A_189 = tpu.memref_slice %arg7[%dma_wait3A_186, %dma_wait3A_187, %dma_wait3A_188] : memref<8x128x32xf32, #tpu.memory_space<vmem>> -> memref<1x128x32xf32, #tpu.memory_space<vmem>>
        %dma_wait3A_190 = tpu.memref_squeeze %dma_wait3A_189 : memref<1x128x32xf32, #tpu.memory_space<vmem>> -> memref<128x32xf32, #tpu.memory_space<vmem>>
        %dma_wait3A_191 = arith.constant 0 : i32
        %dma_wait3A_192 = tpu.memref_slice %arg5[%add3A_185, %dma_wait3A_191] : memref<200x128xi32, #tpu.memory_space<vmem>> -> memref<1x128xi32, #tpu.memory_space<vmem>>
        %dma_wait3A_193 = tpu.memref_squeeze %dma_wait3A_192 : memref<1x128xi32, #tpu.memory_space<vmem>> -> memref<128xi32, #tpu.memory_space<vmem>>
        %dma_wait3A_194 = arith.constant 0 : i32
        %dma_wait3A_195 = arith.constant 0 : i32
        %dma_wait3A_196 = tpu.memref_slice %arg3[%dma_wait3A_194, %dma_wait3A_195] : memref<1000000x32xf32, #tpu.memory_space<hbm>> -> memref<1000000x32xf32, #tpu.memory_space<hbm>>
        tpu.wait_indirect_dma semaphore(%arg9 : memref<!tpu.dma_semaphore, #tpu.memory_space<semaphore_mem>>) src(%dma_wait3A_196 : memref<1000000x32xf32, #tpu.memory_space<hbm>>) dst(%dma_wait3A_190 : memref<128x32xf32, #tpu.memory_space<vmem>>)
        %mul3A_197 = arith.constant 8 : i32
        %mul3A_198 = arith.muli %add3A_120, %mul3A_197 : i32
        %add3A_199 = arith.constant 4 : i32
        %add3A_200 = arith.addi %mul3A_198, %add3A_199 : i32
        %dma_wait3A_201 = arith.constant 4 : i32
        %dma_wait3A_202 = arith.constant 0 : i32
        %dma_wait3A_203 = arith.constant 0 : i32
        %dma_wait3A_204 = tpu.memref_slice %arg7[%dma_wait3A_201, %dma_wait3A_202, %dma_wait3A_203] : memref<8x128x32xf32, #tpu.memory_space<vmem>> -> memref<1x128x32xf32, #tpu.memory_space<vmem>>
        %dma_wait3A_205 = tpu.memref_squeeze %dma_wait3A_204 : memref<1x128x32xf32, #tpu.memory_space<vmem>> -> memref<128x32xf32, #tpu.memory_space<vmem>>
        %dma_wait3A_206 = arith.constant 0 : i32
        %dma_wait3A_207 = tpu.memref_slice %arg5[%add3A_200, %dma_wait3A_206] : memref<200x128xi32, #tpu.memory_space<vmem>> -> memref<1x128xi32, #tpu.memory_space<vmem>>
        %dma_wait3A_208 = tpu.memref_squeeze %dma_wait3A_207 : memref<1x128xi32, #tpu.memory_space<vmem>> -> memref<128xi32, #tpu.memory_space<vmem>>
        %dma_wait3A_209 = arith.constant 0 : i32
        %dma_wait3A_210 = arith.constant 0 : i32
        %dma_wait3A_211 = tpu.memref_slice %arg3[%dma_wait3A_209, %dma_wait3A_210] : memref<1000000x32xf32, #tpu.memory_space<hbm>> -> memref<1000000x32xf32, #tpu.memory_space<hbm>>
        tpu.wait_indirect_dma semaphore(%arg9 : memref<!tpu.dma_semaphore, #tpu.memory_space<semaphore_mem>>) src(%dma_wait3A_211 : memref<1000000x32xf32, #tpu.memory_space<hbm>>) dst(%dma_wait3A_205 : memref<128x32xf32, #tpu.memory_space<vmem>>)
        %mul3A_212 = arith.constant 8 : i32
        %mul3A_213 = arith.muli %add3A_120, %mul3A_212 : i32
        %add3A_214 = arith.constant 5 : i32
        %add3A_215 = arith.addi %mul3A_213, %add3A_214 : i32
        %dma_wait3A_216 = arith.constant 5 : i32
        %dma_wait3A_217 = arith.constant 0 : i32
        %dma_wait3A_218 = arith.constant 0 : i32
        %dma_wait3A_219 = tpu.memref_slice %arg7[%dma_wait3A_216, %dma_wait3A_217, %dma_wait3A_218] : memref<8x128x32xf32, #tpu.memory_space<vmem>> -> memref<1x128x32xf32, #tpu.memory_space<vmem>>
        %dma_wait3A_220 = tpu.memref_squeeze %dma_wait3A_219 : memref<1x128x32xf32, #tpu.memory_space<vmem>> -> memref<128x32xf32, #tpu.memory_space<vmem>>
        %dma_wait3A_221 = arith.constant 0 : i32
        %dma_wait3A_222 = tpu.memref_slice %arg5[%add3A_215, %dma_wait3A_221] : memref<200x128xi32, #tpu.memory_space<vmem>> -> memref<1x128xi32, #tpu.memory_space<vmem>>
        %dma_wait3A_223 = tpu.memref_squeeze %dma_wait3A_222 : memref<1x128xi32, #tpu.memory_space<vmem>> -> memref<128xi32, #tpu.memory_space<vmem>>
        %dma_wait3A_224 = arith.constant 0 : i32
        %dma_wait3A_225 = arith.constant 0 : i32
        %dma_wait3A_226 = tpu.memref_slice %arg3[%dma_wait3A_224, %dma_wait3A_225] : memref<1000000x32xf32, #tpu.memory_space<hbm>> -> memref<1000000x32xf32, #tpu.memory_space<hbm>>
        tpu.wait_indirect_dma semaphore(%arg9 : memref<!tpu.dma_semaphore, #tpu.memory_space<semaphore_mem>>) src(%dma_wait3A_226 : memref<1000000x32xf32, #tpu.memory_space<hbm>>) dst(%dma_wait3A_220 : memref<128x32xf32, #tpu.memory_space<vmem>>)
        %mul3A_227 = arith.constant 8 : i32
        %mul3A_228 = arith.muli %add3A_120, %mul3A_227 : i32
        %add3A_229 = arith.constant 6 : i32
        %add3A_230 = arith.addi %mul3A_228, %add3A_229 : i32
        %dma_wait3A_231 = arith.constant 6 : i32
        %dma_wait3A_232 = arith.constant 0 : i32
        %dma_wait3A_233 = arith.constant 0 : i32
        %dma_wait3A_234 = tpu.memref_slice %arg7[%dma_wait3A_231, %dma_wait3A_232, %dma_wait3A_233] : memref<8x128x32xf32, #tpu.memory_space<vmem>> -> memref<1x128x32xf32, #tpu.memory_space<vmem>>
        %dma_wait3A_235 = tpu.memref_squeeze %dma_wait3A_234 : memref<1x128x32xf32, #tpu.memory_space<vmem>> -> memref<128x32xf32, #tpu.memory_space<vmem>>
        %dma_wait3A_236 = arith.constant 0 : i32
        %dma_wait3A_237 = tpu.memref_slice %arg5[%add3A_230, %dma_wait3A_236] : memref<200x128xi32, #tpu.memory_space<vmem>> -> memref<1x128xi32, #tpu.memory_space<vmem>>
        %dma_wait3A_238 = tpu.memref_squeeze %dma_wait3A_237 : memref<1x128xi32, #tpu.memory_space<vmem>> -> memref<128xi32, #tpu.memory_space<vmem>>
        %dma_wait3A_239 = arith.constant 0 : i32
        %dma_wait3A_240 = arith.constant 0 : i32
        %dma_wait3A_241 = tpu.memref_slice %arg3[%dma_wait3A_239, %dma_wait3A_240] : memref<1000000x32xf32, #tpu.memory_space<hbm>> -> memref<1000000x32xf32, #tpu.memory_space<hbm>>
        tpu.wait_indirect_dma semaphore(%arg9 : memref<!tpu.dma_semaphore, #tpu.memory_space<semaphore_mem>>) src(%dma_wait3A_241 : memref<1000000x32xf32, #tpu.memory_space<hbm>>) dst(%dma_wait3A_235 : memref<128x32xf32, #tpu.memory_space<vmem>>)
        %mul3A_242 = arith.constant 8 : i32
        %mul3A_243 = arith.muli %add3A_120, %mul3A_242 : i32
        %add3A_244 = arith.constant 7 : i32
        %add3A_245 = arith.addi %mul3A_243, %add3A_244 : i32
        %dma_wait3A_246 = arith.constant 7 : i32
        %dma_wait3A_247 = arith.constant 0 : i32
        %dma_wait3A_248 = arith.constant 0 : i32
        %dma_wait3A_249 = tpu.memref_slice %arg7[%dma_wait3A_246, %dma_wait3A_247, %dma_wait3A_248] : memref<8x128x32xf32, #tpu.memory_space<vmem>> -> memref<1x128x32xf32, #tpu.memory_space<vmem>>
        %dma_wait3A_250 = tpu.memref_squeeze %dma_wait3A_249 : memref<1x128x32xf32, #tpu.memory_space<vmem>> -> memref<128x32xf32, #tpu.memory_space<vmem>>
        %dma_wait3A_251 = arith.constant 0 : i32
        %dma_wait3A_252 = tpu.memref_slice %arg5[%add3A_245, %dma_wait3A_251] : memref<200x128xi32, #tpu.memory_space<vmem>> -> memref<1x128xi32, #tpu.memory_space<vmem>>
        %dma_wait3A_253 = tpu.memref_squeeze %dma_wait3A_252 : memref<1x128xi32, #tpu.memory_space<vmem>> -> memref<128xi32, #tpu.memory_space<vmem>>
        %dma_wait3A_254 = arith.constant 0 : i32
        %dma_wait3A_255 = arith.constant 0 : i32
        %dma_wait3A_256 = tpu.memref_slice %arg3[%dma_wait3A_254, %dma_wait3A_255] : memref<1000000x32xf32, #tpu.memory_space<hbm>> -> memref<1000000x32xf32, #tpu.memory_space<hbm>>
        tpu.wait_indirect_dma semaphore(%arg9 : memref<!tpu.dma_semaphore, #tpu.memory_space<semaphore_mem>>) src(%dma_wait3A_256 : memref<1000000x32xf32, #tpu.memory_space<hbm>>) dst(%dma_wait3A_250 : memref<128x32xf32, #tpu.memory_space<vmem>>)
        %mul3A_257 = arith.constant 8 : i32
        %mul3A_258 = arith.muli %add3A_120, %mul3A_257 : i32
        %add3A_259 = arith.constant 0 : i32
        %add3A_260 = arith.addi %mul3A_258, %add3A_259 : i32
        %mul3A_261 = arith.constant 200 : i32
        %mul3A_262 = arith.muli %add3A, %mul3A_261 : i32
        %add3A_263 = arith.addi %mul3A_262, %add3A_260 : i32
        %mul3A_264 = arith.constant 128 : i32
        %mul3A_265 = arith.muli %add3A_263, %mul3A_264 : i32
        %dma_start3A_266 = arith.constant 0 : i32
        %dma_start3A_267 = arith.constant 0 : i32
        %dma_start3A_268 = arith.constant 0 : i32
        %dma_start3A_269 = tpu.memref_slice %arg7[%dma_start3A_266, %dma_start3A_267, %dma_start3A_268] : memref<8x128x32xf32, #tpu.memory_space<vmem>> -> memref<1x128x32xf32, #tpu.memory_space<vmem>>
        %dma_start3A_270 = tpu.memref_squeeze %dma_start3A_269 : memref<1x128x32xf32, #tpu.memory_space<vmem>> -> memref<128x32xf32, #tpu.memory_space<vmem>>
        %dma_start3A_271 = arith.constant 0 : i32
        %dma_start3A_272 = tpu.memref_slice %arg4[%mul3A_265, %dma_start3A_271] : memref<819200x32xf32, #tpu.memory_space<hbm>> -> memref<128x32xf32, #tpu.memory_space<hbm>>
        %dma_start3A_273 = arith.constant 0 : i32
        %dma_start3A_274 = tpu.memref_slice %arg4[%mul3A_265, %dma_start3A_273] : memref<819200x32xf32, #tpu.memory_space<hbm>> -> memref<128x32xf32, #tpu.memory_space<hbm>>
        %dma_start3A_275 = arith.constant 0 : i32
        %dma_start3A_276 = arith.constant 0 : i32
        %dma_start3A_277 = tpu.memref_slice %arg7[%dma_start3A_266, %dma_start3A_275, %dma_start3A_276] : memref<8x128x32xf32, #tpu.memory_space<vmem>> -> memref<1x128x32xf32, #tpu.memory_space<vmem>>
        %dma_start3A_278 = tpu.memref_squeeze %dma_start3A_277 : memref<1x128x32xf32, #tpu.memory_space<vmem>> -> memref<128x32xf32, #tpu.memory_space<vmem>>
        tpu.enqueue_dma source(%dma_start3A_278 : memref<128x32xf32, #tpu.memory_space<vmem>>) target(%dma_start3A_274 : memref<128x32xf32, #tpu.memory_space<hbm>>) target_semaphore(%arg11 : memref<!tpu.dma_semaphore, #tpu.memory_space<semaphore_mem>>)
        %mul3A_279 = arith.constant 8 : i32
        %mul3A_280 = arith.muli %add3A_120, %mul3A_279 : i32
        %add3A_281 = arith.constant 1 : i32
        %add3A_282 = arith.addi %mul3A_280, %add3A_281 : i32
        %mul3A_283 = arith.constant 200 : i32
        %mul3A_284 = arith.muli %add3A, %mul3A_283 : i32
        %add3A_285 = arith.addi %mul3A_284, %add3A_282 : i32
        %mul3A_286 = arith.constant 128 : i32
        %mul3A_287 = arith.muli %add3A_285, %mul3A_286 : i32
        %dma_start3A_288 = arith.constant 1 : i32
        %dma_start3A_289 = arith.constant 0 : i32
        %dma_start3A_290 = arith.constant 0 : i32
        %dma_start3A_291 = tpu.memref_slice %arg7[%dma_start3A_288, %dma_start3A_289, %dma_start3A_290] : memref<8x128x32xf32, #tpu.memory_space<vmem>> -> memref<1x128x32xf32, #tpu.memory_space<vmem>>
        %dma_start3A_292 = tpu.memref_squeeze %dma_start3A_291 : memref<1x128x32xf32, #tpu.memory_space<vmem>> -> memref<128x32xf32, #tpu.memory_space<vmem>>
        %dma_start3A_293 = arith.constant 0 : i32
        %dma_start3A_294 = tpu.memref_slice %arg4[%mul3A_287, %dma_start3A_293] : memref<819200x32xf32, #tpu.memory_space<hbm>> -> memref<128x32xf32, #tpu.memory_space<hbm>>
        %dma_start3A_295 = arith.constant 0 : i32
        %dma_start3A_296 = tpu.memref_slice %arg4[%mul3A_287, %dma_start3A_295] : memref<819200x32xf32, #tpu.memory_space<hbm>> -> memref<128x32xf32, #tpu.memory_space<hbm>>
        %dma_start3A_297 = arith.constant 0 : i32
        %dma_start3A_298 = arith.constant 0 : i32
        %dma_start3A_299 = tpu.memref_slice %arg7[%dma_start3A_288, %dma_start3A_297, %dma_start3A_298] : memref<8x128x32xf32, #tpu.memory_space<vmem>> -> memref<1x128x32xf32, #tpu.memory_space<vmem>>
        %dma_start3A_300 = tpu.memref_squeeze %dma_start3A_299 : memref<1x128x32xf32, #tpu.memory_space<vmem>> -> memref<128x32xf32, #tpu.memory_space<vmem>>
        tpu.enqueue_dma source(%dma_start3A_300 : memref<128x32xf32, #tpu.memory_space<vmem>>) target(%dma_start3A_296 : memref<128x32xf32, #tpu.memory_space<hbm>>) target_semaphore(%arg11 : memref<!tpu.dma_semaphore, #tpu.memory_space<semaphore_mem>>)
        %mul3A_301 = arith.constant 8 : i32
        %mul3A_302 = arith.muli %add3A_120, %mul3A_301 : i32
        %add3A_303 = arith.constant 2 : i32
        %add3A_304 = arith.addi %mul3A_302, %add3A_303 : i32
        %mul3A_305 = arith.constant 200 : i32
        %mul3A_306 = arith.muli %add3A, %mul3A_305 : i32
        %add3A_307 = arith.addi %mul3A_306, %add3A_304 : i32
        %mul3A_308 = arith.constant 128 : i32
        %mul3A_309 = arith.muli %add3A_307, %mul3A_308 : i32
        %dma_start3A_310 = arith.constant 2 : i32
        %dma_start3A_311 = arith.constant 0 : i32
        %dma_start3A_312 = arith.constant 0 : i32
        %dma_start3A_313 = tpu.memref_slice %arg7[%dma_start3A_310, %dma_start3A_311, %dma_start3A_312] : memref<8x128x32xf32, #tpu.memory_space<vmem>> -> memref<1x128x32xf32, #tpu.memory_space<vmem>>
        %dma_start3A_314 = tpu.memref_squeeze %dma_start3A_313 : memref<1x128x32xf32, #tpu.memory_space<vmem>> -> memref<128x32xf32, #tpu.memory_space<vmem>>
        %dma_start3A_315 = arith.constant 0 : i32
        %dma_start3A_316 = tpu.memref_slice %arg4[%mul3A_309, %dma_start3A_315] : memref<819200x32xf32, #tpu.memory_space<hbm>> -> memref<128x32xf32, #tpu.memory_space<hbm>>
        %dma_start3A_317 = arith.constant 0 : i32
        %dma_start3A_318 = tpu.memref_slice %arg4[%mul3A_309, %dma_start3A_317] : memref<819200x32xf32, #tpu.memory_space<hbm>> -> memref<128x32xf32, #tpu.memory_space<hbm>>
        %dma_start3A_319 = arith.constant 0 : i32
        %dma_start3A_320 = arith.constant 0 : i32
        %dma_start3A_321 = tpu.memref_slice %arg7[%dma_start3A_310, %dma_start3A_319, %dma_start3A_320] : memref<8x128x32xf32, #tpu.memory_space<vmem>> -> memref<1x128x32xf32, #tpu.memory_space<vmem>>
        %dma_start3A_322 = tpu.memref_squeeze %dma_start3A_321 : memref<1x128x32xf32, #tpu.memory_space<vmem>> -> memref<128x32xf32, #tpu.memory_space<vmem>>
        tpu.enqueue_dma source(%dma_start3A_322 : memref<128x32xf32, #tpu.memory_space<vmem>>) target(%dma_start3A_318 : memref<128x32xf32, #tpu.memory_space<hbm>>) target_semaphore(%arg11 : memref<!tpu.dma_semaphore, #tpu.memory_space<semaphore_mem>>)
        %mul3A_323 = arith.constant 8 : i32
        %mul3A_324 = arith.muli %add3A_120, %mul3A_323 : i32
        %add3A_325 = arith.constant 3 : i32
        %add3A_326 = arith.addi %mul3A_324, %add3A_325 : i32
        %mul3A_327 = arith.constant 200 : i32
        %mul3A_328 = arith.muli %add3A, %mul3A_327 : i32
        %add3A_329 = arith.addi %mul3A_328, %add3A_326 : i32
        %mul3A_330 = arith.constant 128 : i32
        %mul3A_331 = arith.muli %add3A_329, %mul3A_330 : i32
        %dma_start3A_332 = arith.constant 3 : i32
        %dma_start3A_333 = arith.constant 0 : i32
        %dma_start3A_334 = arith.constant 0 : i32
        %dma_start3A_335 = tpu.memref_slice %arg7[%dma_start3A_332, %dma_start3A_333, %dma_start3A_334] : memref<8x128x32xf32, #tpu.memory_space<vmem>> -> memref<1x128x32xf32, #tpu.memory_space<vmem>>
        %dma_start3A_336 = tpu.memref_squeeze %dma_start3A_335 : memref<1x128x32xf32, #tpu.memory_space<vmem>> -> memref<128x32xf32, #tpu.memory_space<vmem>>
        %dma_start3A_337 = arith.constant 0 : i32
        %dma_start3A_338 = tpu.memref_slice %arg4[%mul3A_331, %dma_start3A_337] : memref<819200x32xf32, #tpu.memory_space<hbm>> -> memref<128x32xf32, #tpu.memory_space<hbm>>
        %dma_start3A_339 = arith.constant 0 : i32
        %dma_start3A_340 = tpu.memref_slice %arg4[%mul3A_331, %dma_start3A_339] : memref<819200x32xf32, #tpu.memory_space<hbm>> -> memref<128x32xf32, #tpu.memory_space<hbm>>
        %dma_start3A_341 = arith.constant 0 : i32
        %dma_start3A_342 = arith.constant 0 : i32
        %dma_start3A_343 = tpu.memref_slice %arg7[%dma_start3A_332, %dma_start3A_341, %dma_start3A_342] : memref<8x128x32xf32, #tpu.memory_space<vmem>> -> memref<1x128x32xf32, #tpu.memory_space<vmem>>
        %dma_start3A_344 = tpu.memref_squeeze %dma_start3A_343 : memref<1x128x32xf32, #tpu.memory_space<vmem>> -> memref<128x32xf32, #tpu.memory_space<vmem>>
        tpu.enqueue_dma source(%dma_start3A_344 : memref<128x32xf32, #tpu.memory_space<vmem>>) target(%dma_start3A_340 : memref<128x32xf32, #tpu.memory_space<hbm>>) target_semaphore(%arg11 : memref<!tpu.dma_semaphore, #tpu.memory_space<semaphore_mem>>)
        %mul3A_345 = arith.constant 8 : i32
        %mul3A_346 = arith.muli %add3A_120, %mul3A_345 : i32
        %add3A_347 = arith.constant 4 : i32
        %add3A_348 = arith.addi %mul3A_346, %add3A_347 : i32
        %mul3A_349 = arith.constant 200 : i32
        %mul3A_350 = arith.muli %add3A, %mul3A_349 : i32
        %add3A_351 = arith.addi %mul3A_350, %add3A_348 : i32
        %mul3A_352 = arith.constant 128 : i32
        %mul3A_353 = arith.muli %add3A_351, %mul3A_352 : i32
        %dma_start3A_354 = arith.constant 4 : i32
        %dma_start3A_355 = arith.constant 0 : i32
        %dma_start3A_356 = arith.constant 0 : i32
        %dma_start3A_357 = tpu.memref_slice %arg7[%dma_start3A_354, %dma_start3A_355, %dma_start3A_356] : memref<8x128x32xf32, #tpu.memory_space<vmem>> -> memref<1x128x32xf32, #tpu.memory_space<vmem>>
        %dma_start3A_358 = tpu.memref_squeeze %dma_start3A_357 : memref<1x128x32xf32, #tpu.memory_space<vmem>> -> memref<128x32xf32, #tpu.memory_space<vmem>>
        %dma_start3A_359 = arith.constant 0 : i32
        %dma_start3A_360 = tpu.memref_slice %arg4[%mul3A_353, %dma_start3A_359] : memref<819200x32xf32, #tpu.memory_space<hbm>> -> memref<128x32xf32, #tpu.memory_space<hbm>>
        %dma_start3A_361 = arith.constant 0 : i32
        %dma_start3A_362 = tpu.memref_slice %arg4[%mul3A_353, %dma_start3A_361] : memref<819200x32xf32, #tpu.memory_space<hbm>> -> memref<128x32xf32, #tpu.memory_space<hbm>>
        %dma_start3A_363 = arith.constant 0 : i32
        %dma_start3A_364 = arith.constant 0 : i32
        %dma_start3A_365 = tpu.memref_slice %arg7[%dma_start3A_354, %dma_start3A_363, %dma_start3A_364] : memref<8x128x32xf32, #tpu.memory_space<vmem>> -> memref<1x128x32xf32, #tpu.memory_space<vmem>>
        %dma_start3A_366 = tpu.memref_squeeze %dma_start3A_365 : memref<1x128x32xf32, #tpu.memory_space<vmem>> -> memref<128x32xf32, #tpu.memory_space<vmem>>
        tpu.enqueue_dma source(%dma_start3A_366 : memref<128x32xf32, #tpu.memory_space<vmem>>) target(%dma_start3A_362 : memref<128x32xf32, #tpu.memory_space<hbm>>) target_semaphore(%arg11 : memref<!tpu.dma_semaphore, #tpu.memory_space<semaphore_mem>>)
        %mul3A_367 = arith.constant 8 : i32
        %mul3A_368 = arith.muli %add3A_120, %mul3A_367 : i32
        %add3A_369 = arith.constant 5 : i32
        %add3A_370 = arith.addi %mul3A_368, %add3A_369 : i32
        %mul3A_371 = arith.constant 200 : i32
        %mul3A_372 = arith.muli %add3A, %mul3A_371 : i32
        %add3A_373 = arith.addi %mul3A_372, %add3A_370 : i32
        %mul3A_374 = arith.constant 128 : i32
        %mul3A_375 = arith.muli %add3A_373, %mul3A_374 : i32
        %dma_start3A_376 = arith.constant 5 : i32
        %dma_start3A_377 = arith.constant 0 : i32
        %dma_start3A_378 = arith.constant 0 : i32
        %dma_start3A_379 = tpu.memref_slice %arg7[%dma_start3A_376, %dma_start3A_377, %dma_start3A_378] : memref<8x128x32xf32, #tpu.memory_space<vmem>> -> memref<1x128x32xf32, #tpu.memory_space<vmem>>
        %dma_start3A_380 = tpu.memref_squeeze %dma_start3A_379 : memref<1x128x32xf32, #tpu.memory_space<vmem>> -> memref<128x32xf32, #tpu.memory_space<vmem>>
        %dma_start3A_381 = arith.constant 0 : i32
        %dma_start3A_382 = tpu.memref_slice %arg4[%mul3A_375, %dma_start3A_381] : memref<819200x32xf32, #tpu.memory_space<hbm>> -> memref<128x32xf32, #tpu.memory_space<hbm>>
        %dma_start3A_383 = arith.constant 0 : i32
        %dma_start3A_384 = tpu.memref_slice %arg4[%mul3A_375, %dma_start3A_383] : memref<819200x32xf32, #tpu.memory_space<hbm>> -> memref<128x32xf32, #tpu.memory_space<hbm>>
        %dma_start3A_385 = arith.constant 0 : i32
        %dma_start3A_386 = arith.constant 0 : i32
        %dma_start3A_387 = tpu.memref_slice %arg7[%dma_start3A_376, %dma_start3A_385, %dma_start3A_386] : memref<8x128x32xf32, #tpu.memory_space<vmem>> -> memref<1x128x32xf32, #tpu.memory_space<vmem>>
        %dma_start3A_388 = tpu.memref_squeeze %dma_start3A_387 : memref<1x128x32xf32, #tpu.memory_space<vmem>> -> memref<128x32xf32, #tpu.memory_space<vmem>>
        tpu.enqueue_dma source(%dma_start3A_388 : memref<128x32xf32, #tpu.memory_space<vmem>>) target(%dma_start3A_384 : memref<128x32xf32, #tpu.memory_space<hbm>>) target_semaphore(%arg11 : memref<!tpu.dma_semaphore, #tpu.memory_space<semaphore_mem>>)
        %mul3A_389 = arith.constant 8 : i32
        %mul3A_390 = arith.muli %add3A_120, %mul3A_389 : i32
        %add3A_391 = arith.constant 6 : i32
        %add3A_392 = arith.addi %mul3A_390, %add3A_391 : i32
        %mul3A_393 = arith.constant 200 : i32
        %mul3A_394 = arith.muli %add3A, %mul3A_393 : i32
        %add3A_395 = arith.addi %mul3A_394, %add3A_392 : i32
        %mul3A_396 = arith.constant 128 : i32
        %mul3A_397 = arith.muli %add3A_395, %mul3A_396 : i32
        %dma_start3A_398 = arith.constant 6 : i32
        %dma_start3A_399 = arith.constant 0 : i32
        %dma_start3A_400 = arith.constant 0 : i32
        %dma_start3A_401 = tpu.memref_slice %arg7[%dma_start3A_398, %dma_start3A_399, %dma_start3A_400] : memref<8x128x32xf32, #tpu.memory_space<vmem>> -> memref<1x128x32xf32, #tpu.memory_space<vmem>>
        %dma_start3A_402 = tpu.memref_squeeze %dma_start3A_401 : memref<1x128x32xf32, #tpu.memory_space<vmem>> -> memref<128x32xf32, #tpu.memory_space<vmem>>
        %dma_start3A_403 = arith.constant 0 : i32
        %dma_start3A_404 = tpu.memref_slice %arg4[%mul3A_397, %dma_start3A_403] : memref<819200x32xf32, #tpu.memory_space<hbm>> -> memref<128x32xf32, #tpu.memory_space<hbm>>
        %dma_start3A_405 = arith.constant 0 : i32
        %dma_start3A_406 = tpu.memref_slice %arg4[%mul3A_397, %dma_start3A_405] : memref<819200x32xf32, #tpu.memory_space<hbm>> -> memref<128x32xf32, #tpu.memory_space<hbm>>
        %dma_start3A_407 = arith.constant 0 : i32
        %dma_start3A_408 = arith.constant 0 : i32
        %dma_start3A_409 = tpu.memref_slice %arg7[%dma_start3A_398, %dma_start3A_407, %dma_start3A_408] : memref<8x128x32xf32, #tpu.memory_space<vmem>> -> memref<1x128x32xf32, #tpu.memory_space<vmem>>
        %dma_start3A_410 = tpu.memref_squeeze %dma_start3A_409 : memref<1x128x32xf32, #tpu.memory_space<vmem>> -> memref<128x32xf32, #tpu.memory_space<vmem>>
        tpu.enqueue_dma source(%dma_start3A_410 : memref<128x32xf32, #tpu.memory_space<vmem>>) target(%dma_start3A_406 : memref<128x32xf32, #tpu.memory_space<hbm>>) target_semaphore(%arg11 : memref<!tpu.dma_semaphore, #tpu.memory_space<semaphore_mem>>)
        %mul3A_411 = arith.constant 8 : i32
        %mul3A_412 = arith.muli %add3A_120, %mul3A_411 : i32
        %add3A_413 = arith.constant 7 : i32
        %add3A_414 = arith.addi %mul3A_412, %add3A_413 : i32
        %mul3A_415 = arith.constant 200 : i32
        %mul3A_416 = arith.muli %add3A, %mul3A_415 : i32
        %add3A_417 = arith.addi %mul3A_416, %add3A_414 : i32
        %mul3A_418 = arith.constant 128 : i32
        %mul3A_419 = arith.muli %add3A_417, %mul3A_418 : i32
        %dma_start3A_420 = arith.constant 7 : i32
        %dma_start3A_421 = arith.constant 0 : i32
        %dma_start3A_422 = arith.constant 0 : i32
        %dma_start3A_423 = tpu.memref_slice %arg7[%dma_start3A_420, %dma_start3A_421, %dma_start3A_422] : memref<8x128x32xf32, #tpu.memory_space<vmem>> -> memref<1x128x32xf32, #tpu.memory_space<vmem>>
        %dma_start3A_424 = tpu.memref_squeeze %dma_start3A_423 : memref<1x128x32xf32, #tpu.memory_space<vmem>> -> memref<128x32xf32, #tpu.memory_space<vmem>>
        %dma_start3A_425 = arith.constant 0 : i32
        %dma_start3A_426 = tpu.memref_slice %arg4[%mul3A_419, %dma_start3A_425] : memref<819200x32xf32, #tpu.memory_space<hbm>> -> memref<128x32xf32, #tpu.memory_space<hbm>>
        %dma_start3A_427 = arith.constant 0 : i32
        %dma_start3A_428 = tpu.memref_slice %arg4[%mul3A_419, %dma_start3A_427] : memref<819200x32xf32, #tpu.memory_space<hbm>> -> memref<128x32xf32, #tpu.memory_space<hbm>>
        %dma_start3A_429 = arith.constant 0 : i32
        %dma_start3A_430 = arith.constant 0 : i32
        %dma_start3A_431 = tpu.memref_slice %arg7[%dma_start3A_420, %dma_start3A_429, %dma_start3A_430] : memref<8x128x32xf32, #tpu.memory_space<vmem>> -> memref<1x128x32xf32, #tpu.memory_space<vmem>>
        %dma_start3A_432 = tpu.memref_squeeze %dma_start3A_431 : memref<1x128x32xf32, #tpu.memory_space<vmem>> -> memref<128x32xf32, #tpu.memory_space<vmem>>
        tpu.enqueue_dma source(%dma_start3A_432 : memref<128x32xf32, #tpu.memory_space<vmem>>) target(%dma_start3A_428 : memref<128x32xf32, #tpu.memory_space<hbm>>) target_semaphore(%arg11 : memref<!tpu.dma_semaphore, #tpu.memory_space<semaphore_mem>>)
      } else {
      }
      %ge3A_126 = arith.constant 1 : i32
      %ge3A_127 = arith.cmpi sge, %add3A_120, %ge3A_126 : i32
      %convert_element_type3A_128 = arith.extui %ge3A_127 : i1 to i32
      %cond3A_129 = arith.constant 0 : i32
      %cond3A_130 = arith.cmpi ne, %convert_element_type3A_128, %cond3A_129 : i32
      scf.if %cond3A_130 {
        %sub3A = arith.constant 1 : i32
        %sub3A_138 = arith.subi %add3A_120, %sub3A : i32
        %mul3A_139 = arith.constant 8 : i32
        %mul3A_140 = arith.muli %sub3A_138, %mul3A_139 : i32
        %add3A_141 = arith.constant 0 : i32
        %add3A_142 = arith.addi %mul3A_140, %add3A_141 : i32
        %mul3A_143 = arith.constant 200 : i32
        %mul3A_144 = arith.muli %add3A, %mul3A_143 : i32
        %add3A_145 = arith.addi %mul3A_144, %add3A_142 : i32
        %mul3A_146 = arith.constant 128 : i32
        %mul3A_147 = arith.muli %add3A_145, %mul3A_146 : i32
        %dma_wait3A = arith.constant 0 : i32
        %dma_wait3A_148 = arith.constant 0 : i32
        %dma_wait3A_149 = arith.constant 0 : i32
        %dma_wait3A_150 = tpu.memref_slice %arg6[%dma_wait3A, %dma_wait3A_148, %dma_wait3A_149] : memref<8x128x32xf32, #tpu.memory_space<vmem>> -> memref<1x128x32xf32, #tpu.memory_space<vmem>>
        %dma_wait3A_151 = tpu.memref_squeeze %dma_wait3A_150 : memref<1x128x32xf32, #tpu.memory_space<vmem>> -> memref<128x32xf32, #tpu.memory_space<vmem>>
        %dma_wait3A_152 = arith.constant 0 : i32
        %dma_wait3A_153 = tpu.memref_slice %arg4[%mul3A_147, %dma_wait3A_152] : memref<819200x32xf32, #tpu.memory_space<hbm>> -> memref<128x32xf32, #tpu.memory_space<hbm>>
        %dma_wait3A_154 = arith.constant 0 : i32
        %dma_wait3A_155 = tpu.memref_slice %arg4[%mul3A_147, %dma_wait3A_154] : memref<819200x32xf32, #tpu.memory_space<hbm>> -> memref<128x32xf32, #tpu.memory_space<hbm>>
        %dma_wait3A_156 = arith.constant 0 : i32
        %dma_wait3A_157 = arith.constant 0 : i32
        %dma_wait3A_158 = tpu.memref_slice %arg6[%dma_wait3A, %dma_wait3A_156, %dma_wait3A_157] : memref<8x128x32xf32, #tpu.memory_space<vmem>> -> memref<1x128x32xf32, #tpu.memory_space<vmem>>
        %dma_wait3A_159 = tpu.memref_squeeze %dma_wait3A_158 : memref<1x128x32xf32, #tpu.memory_space<vmem>> -> memref<128x32xf32, #tpu.memory_space<vmem>>
        tpu.wait_dma2 semaphore(%arg10 : memref<!tpu.dma_semaphore, #tpu.memory_space<semaphore_mem>>) src(%dma_wait3A_159 : memref<128x32xf32, #tpu.memory_space<vmem>>) dst(%dma_wait3A_155 : memref<128x32xf32, #tpu.memory_space<hbm>>)
        %mul3A_160 = arith.constant 8 : i32
        %mul3A_161 = arith.muli %sub3A_138, %mul3A_160 : i32
        %add3A_162 = arith.constant 1 : i32
        %add3A_163 = arith.addi %mul3A_161, %add3A_162 : i32
        %mul3A_164 = arith.constant 200 : i32
        %mul3A_165 = arith.muli %add3A, %mul3A_164 : i32
        %add3A_166 = arith.addi %mul3A_165, %add3A_163 : i32
        %mul3A_167 = arith.constant 128 : i32
        %mul3A_168 = arith.muli %add3A_166, %mul3A_167 : i32
        %dma_wait3A_169 = arith.constant 1 : i32
        %dma_wait3A_170 = arith.constant 0 : i32
        %dma_wait3A_171 = arith.constant 0 : i32
        %dma_wait3A_172 = tpu.memref_slice %arg6[%dma_wait3A_169, %dma_wait3A_170, %dma_wait3A_171] : memref<8x128x32xf32, #tpu.memory_space<vmem>> -> memref<1x128x32xf32, #tpu.memory_space<vmem>>
        %dma_wait3A_173 = tpu.memref_squeeze %dma_wait3A_172 : memref<1x128x32xf32, #tpu.memory_space<vmem>> -> memref<128x32xf32, #tpu.memory_space<vmem>>
        %dma_wait3A_174 = arith.constant 0 : i32
        %dma_wait3A_175 = tpu.memref_slice %arg4[%mul3A_168, %dma_wait3A_174] : memref<819200x32xf32, #tpu.memory_space<hbm>> -> memref<128x32xf32, #tpu.memory_space<hbm>>
        %dma_wait3A_176 = arith.constant 0 : i32
        %dma_wait3A_177 = tpu.memref_slice %arg4[%mul3A_168, %dma_wait3A_176] : memref<819200x32xf32, #tpu.memory_space<hbm>> -> memref<128x32xf32, #tpu.memory_space<hbm>>
        %dma_wait3A_178 = arith.constant 0 : i32
        %dma_wait3A_179 = arith.constant 0 : i32
        %dma_wait3A_180 = tpu.memref_slice %arg6[%dma_wait3A_169, %dma_wait3A_178, %dma_wait3A_179] : memref<8x128x32xf32, #tpu.memory_space<vmem>> -> memref<1x128x32xf32, #tpu.memory_space<vmem>>
        %dma_wait3A_181 = tpu.memref_squeeze %dma_wait3A_180 : memref<1x128x32xf32, #tpu.memory_space<vmem>> -> memref<128x32xf32, #tpu.memory_space<vmem>>
        tpu.wait_dma2 semaphore(%arg10 : memref<!tpu.dma_semaphore, #tpu.memory_space<semaphore_mem>>) src(%dma_wait3A_181 : memref<128x32xf32, #tpu.memory_space<vmem>>) dst(%dma_wait3A_177 : memref<128x32xf32, #tpu.memory_space<hbm>>)
        %mul3A_182 = arith.constant 8 : i32
        %mul3A_183 = arith.muli %sub3A_138, %mul3A_182 : i32
        %add3A_184 = arith.constant 2 : i32
        %add3A_185 = arith.addi %mul3A_183, %add3A_184 : i32
        %mul3A_186 = arith.constant 200 : i32
        %mul3A_187 = arith.muli %add3A, %mul3A_186 : i32
        %add3A_188 = arith.addi %mul3A_187, %add3A_185 : i32
        %mul3A_189 = arith.constant 128 : i32
        %mul3A_190 = arith.muli %add3A_188, %mul3A_189 : i32
        %dma_wait3A_191 = arith.constant 2 : i32
        %dma_wait3A_192 = arith.constant 0 : i32
        %dma_wait3A_193 = arith.constant 0 : i32
        %dma_wait3A_194 = tpu.memref_slice %arg6[%dma_wait3A_191, %dma_wait3A_192, %dma_wait3A_193] : memref<8x128x32xf32, #tpu.memory_space<vmem>> -> memref<1x128x32xf32, #tpu.memory_space<vmem>>
        %dma_wait3A_195 = tpu.memref_squeeze %dma_wait3A_194 : memref<1x128x32xf32, #tpu.memory_space<vmem>> -> memref<128x32xf32, #tpu.memory_space<vmem>>
        %dma_wait3A_196 = arith.constant 0 : i32
        %dma_wait3A_197 = tpu.memref_slice %arg4[%mul3A_190, %dma_wait3A_196] : memref<819200x32xf32, #tpu.memory_space<hbm>> -> memref<128x32xf32, #tpu.memory_space<hbm>>
        %dma_wait3A_198 = arith.constant 0 : i32
        %dma_wait3A_199 = tpu.memref_slice %arg4[%mul3A_190, %dma_wait3A_198] : memref<819200x32xf32, #tpu.memory_space<hbm>> -> memref<128x32xf32, #tpu.memory_space<hbm>>
        %dma_wait3A_200 = arith.constant 0 : i32
        %dma_wait3A_201 = arith.constant 0 : i32
        %dma_wait3A_202 = tpu.memref_slice %arg6[%dma_wait3A_191, %dma_wait3A_200, %dma_wait3A_201] : memref<8x128x32xf32, #tpu.memory_space<vmem>> -> memref<1x128x32xf32, #tpu.memory_space<vmem>>
        %dma_wait3A_203 = tpu.memref_squeeze %dma_wait3A_202 : memref<1x128x32xf32, #tpu.memory_space<vmem>> -> memref<128x32xf32, #tpu.memory_space<vmem>>
        tpu.wait_dma2 semaphore(%arg10 : memref<!tpu.dma_semaphore, #tpu.memory_space<semaphore_mem>>) src(%dma_wait3A_203 : memref<128x32xf32, #tpu.memory_space<vmem>>) dst(%dma_wait3A_199 : memref<128x32xf32, #tpu.memory_space<hbm>>)
        %mul3A_204 = arith.constant 8 : i32
        %mul3A_205 = arith.muli %sub3A_138, %mul3A_204 : i32
        %add3A_206 = arith.constant 3 : i32
        %add3A_207 = arith.addi %mul3A_205, %add3A_206 : i32
        %mul3A_208 = arith.constant 200 : i32
        %mul3A_209 = arith.muli %add3A, %mul3A_208 : i32
        %add3A_210 = arith.addi %mul3A_209, %add3A_207 : i32
        %mul3A_211 = arith.constant 128 : i32
        %mul3A_212 = arith.muli %add3A_210, %mul3A_211 : i32
        %dma_wait3A_213 = arith.constant 3 : i32
        %dma_wait3A_214 = arith.constant 0 : i32
        %dma_wait3A_215 = arith.constant 0 : i32
        %dma_wait3A_216 = tpu.memref_slice %arg6[%dma_wait3A_213, %dma_wait3A_214, %dma_wait3A_215] : memref<8x128x32xf32, #tpu.memory_space<vmem>> -> memref<1x128x32xf32, #tpu.memory_space<vmem>>
        %dma_wait3A_217 = tpu.memref_squeeze %dma_wait3A_216 : memref<1x128x32xf32, #tpu.memory_space<vmem>> -> memref<128x32xf32, #tpu.memory_space<vmem>>
        %dma_wait3A_218 = arith.constant 0 : i32
        %dma_wait3A_219 = tpu.memref_slice %arg4[%mul3A_212, %dma_wait3A_218] : memref<819200x32xf32, #tpu.memory_space<hbm>> -> memref<128x32xf32, #tpu.memory_space<hbm>>
        %dma_wait3A_220 = arith.constant 0 : i32
        %dma_wait3A_221 = tpu.memref_slice %arg4[%mul3A_212, %dma_wait3A_220] : memref<819200x32xf32, #tpu.memory_space<hbm>> -> memref<128x32xf32, #tpu.memory_space<hbm>>
        %dma_wait3A_222 = arith.constant 0 : i32
        %dma_wait3A_223 = arith.constant 0 : i32
        %dma_wait3A_224 = tpu.memref_slice %arg6[%dma_wait3A_213, %dma_wait3A_222, %dma_wait3A_223] : memref<8x128x32xf32, #tpu.memory_space<vmem>> -> memref<1x128x32xf32, #tpu.memory_space<vmem>>
        %dma_wait3A_225 = tpu.memref_squeeze %dma_wait3A_224 : memref<1x128x32xf32, #tpu.memory_space<vmem>> -> memref<128x32xf32, #tpu.memory_space<vmem>>
        tpu.wait_dma2 semaphore(%arg10 : memref<!tpu.dma_semaphore, #tpu.memory_space<semaphore_mem>>) src(%dma_wait3A_225 : memref<128x32xf32, #tpu.memory_space<vmem>>) dst(%dma_wait3A_221 : memref<128x32xf32, #tpu.memory_space<hbm>>)
        %mul3A_226 = arith.constant 8 : i32
        %mul3A_227 = arith.muli %sub3A_138, %mul3A_226 : i32
        %add3A_228 = arith.constant 4 : i32
        %add3A_229 = arith.addi %mul3A_227, %add3A_228 : i32
        %mul3A_230 = arith.constant 200 : i32
        %mul3A_231 = arith.muli %add3A, %mul3A_230 : i32
        %add3A_232 = arith.addi %mul3A_231, %add3A_229 : i32
        %mul3A_233 = arith.constant 128 : i32
        %mul3A_234 = arith.muli %add3A_232, %mul3A_233 : i32
        %dma_wait3A_235 = arith.constant 4 : i32
        %dma_wait3A_236 = arith.constant 0 : i32
        %dma_wait3A_237 = arith.constant 0 : i32
        %dma_wait3A_238 = tpu.memref_slice %arg6[%dma_wait3A_235, %dma_wait3A_236, %dma_wait3A_237] : memref<8x128x32xf32, #tpu.memory_space<vmem>> -> memref<1x128x32xf32, #tpu.memory_space<vmem>>
        %dma_wait3A_239 = tpu.memref_squeeze %dma_wait3A_238 : memref<1x128x32xf32, #tpu.memory_space<vmem>> -> memref<128x32xf32, #tpu.memory_space<vmem>>
        %dma_wait3A_240 = arith.constant 0 : i32
        %dma_wait3A_241 = tpu.memref_slice %arg4[%mul3A_234, %dma_wait3A_240] : memref<819200x32xf32, #tpu.memory_space<hbm>> -> memref<128x32xf32, #tpu.memory_space<hbm>>
        %dma_wait3A_242 = arith.constant 0 : i32
        %dma_wait3A_243 = tpu.memref_slice %arg4[%mul3A_234, %dma_wait3A_242] : memref<819200x32xf32, #tpu.memory_space<hbm>> -> memref<128x32xf32, #tpu.memory_space<hbm>>
        %dma_wait3A_244 = arith.constant 0 : i32
        %dma_wait3A_245 = arith.constant 0 : i32
        %dma_wait3A_246 = tpu.memref_slice %arg6[%dma_wait3A_235, %dma_wait3A_244, %dma_wait3A_245] : memref<8x128x32xf32, #tpu.memory_space<vmem>> -> memref<1x128x32xf32, #tpu.memory_space<vmem>>
        %dma_wait3A_247 = tpu.memref_squeeze %dma_wait3A_246 : memref<1x128x32xf32, #tpu.memory_space<vmem>> -> memref<128x32xf32, #tpu.memory_space<vmem>>
        tpu.wait_dma2 semaphore(%arg10 : memref<!tpu.dma_semaphore, #tpu.memory_space<semaphore_mem>>) src(%dma_wait3A_247 : memref<128x32xf32, #tpu.memory_space<vmem>>) dst(%dma_wait3A_243 : memref<128x32xf32, #tpu.memory_space<hbm>>)
        %mul3A_248 = arith.constant 8 : i32
        %mul3A_249 = arith.muli %sub3A_138, %mul3A_248 : i32
        %add3A_250 = arith.constant 5 : i32
        %add3A_251 = arith.addi %mul3A_249, %add3A_250 : i32
        %mul3A_252 = arith.constant 200 : i32
        %mul3A_253 = arith.muli %add3A, %mul3A_252 : i32
        %add3A_254 = arith.addi %mul3A_253, %add3A_251 : i32
        %mul3A_255 = arith.constant 128 : i32
        %mul3A_256 = arith.muli %add3A_254, %mul3A_255 : i32
        %dma_wait3A_257 = arith.constant 5 : i32
        %dma_wait3A_258 = arith.constant 0 : i32
        %dma_wait3A_259 = arith.constant 0 : i32
        %dma_wait3A_260 = tpu.memref_slice %arg6[%dma_wait3A_257, %dma_wait3A_258, %dma_wait3A_259] : memref<8x128x32xf32, #tpu.memory_space<vmem>> -> memref<1x128x32xf32, #tpu.memory_space<vmem>>
        %dma_wait3A_261 = tpu.memref_squeeze %dma_wait3A_260 : memref<1x128x32xf32, #tpu.memory_space<vmem>> -> memref<128x32xf32, #tpu.memory_space<vmem>>
        %dma_wait3A_262 = arith.constant 0 : i32
        %dma_wait3A_263 = tpu.memref_slice %arg4[%mul3A_256, %dma_wait3A_262] : memref<819200x32xf32, #tpu.memory_space<hbm>> -> memref<128x32xf32, #tpu.memory_space<hbm>>
        %dma_wait3A_264 = arith.constant 0 : i32
        %dma_wait3A_265 = tpu.memref_slice %arg4[%mul3A_256, %dma_wait3A_264] : memref<819200x32xf32, #tpu.memory_space<hbm>> -> memref<128x32xf32, #tpu.memory_space<hbm>>
        %dma_wait3A_266 = arith.constant 0 : i32
        %dma_wait3A_267 = arith.constant 0 : i32
        %dma_wait3A_268 = tpu.memref_slice %arg6[%dma_wait3A_257, %dma_wait3A_266, %dma_wait3A_267] : memref<8x128x32xf32, #tpu.memory_space<vmem>> -> memref<1x128x32xf32, #tpu.memory_space<vmem>>
        %dma_wait3A_269 = tpu.memref_squeeze %dma_wait3A_268 : memref<1x128x32xf32, #tpu.memory_space<vmem>> -> memref<128x32xf32, #tpu.memory_space<vmem>>
        tpu.wait_dma2 semaphore(%arg10 : memref<!tpu.dma_semaphore, #tpu.memory_space<semaphore_mem>>) src(%dma_wait3A_269 : memref<128x32xf32, #tpu.memory_space<vmem>>) dst(%dma_wait3A_265 : memref<128x32xf32, #tpu.memory_space<hbm>>)
        %mul3A_270 = arith.constant 8 : i32
        %mul3A_271 = arith.muli %sub3A_138, %mul3A_270 : i32
        %add3A_272 = arith.constant 6 : i32
        %add3A_273 = arith.addi %mul3A_271, %add3A_272 : i32
        %mul3A_274 = arith.constant 200 : i32
        %mul3A_275 = arith.muli %add3A, %mul3A_274 : i32
        %add3A_276 = arith.addi %mul3A_275, %add3A_273 : i32
        %mul3A_277 = arith.constant 128 : i32
        %mul3A_278 = arith.muli %add3A_276, %mul3A_277 : i32
        %dma_wait3A_279 = arith.constant 6 : i32
        %dma_wait3A_280 = arith.constant 0 : i32
        %dma_wait3A_281 = arith.constant 0 : i32
        %dma_wait3A_282 = tpu.memref_slice %arg6[%dma_wait3A_279, %dma_wait3A_280, %dma_wait3A_281] : memref<8x128x32xf32, #tpu.memory_space<vmem>> -> memref<1x128x32xf32, #tpu.memory_space<vmem>>
        %dma_wait3A_283 = tpu.memref_squeeze %dma_wait3A_282 : memref<1x128x32xf32, #tpu.memory_space<vmem>> -> memref<128x32xf32, #tpu.memory_space<vmem>>
        %dma_wait3A_284 = arith.constant 0 : i32
        %dma_wait3A_285 = tpu.memref_slice %arg4[%mul3A_278, %dma_wait3A_284] : memref<819200x32xf32, #tpu.memory_space<hbm>> -> memref<128x32xf32, #tpu.memory_space<hbm>>
        %dma_wait3A_286 = arith.constant 0 : i32
        %dma_wait3A_287 = tpu.memref_slice %arg4[%mul3A_278, %dma_wait3A_286] : memref<819200x32xf32, #tpu.memory_space<hbm>> -> memref<128x32xf32, #tpu.memory_space<hbm>>
        %dma_wait3A_288 = arith.constant 0 : i32
        %dma_wait3A_289 = arith.constant 0 : i32
        %dma_wait3A_290 = tpu.memref_slice %arg6[%dma_wait3A_279, %dma_wait3A_288, %dma_wait3A_289] : memref<8x128x32xf32, #tpu.memory_space<vmem>> -> memref<1x128x32xf32, #tpu.memory_space<vmem>>
        %dma_wait3A_291 = tpu.memref_squeeze %dma_wait3A_290 : memref<1x128x32xf32, #tpu.memory_space<vmem>> -> memref<128x32xf32, #tpu.memory_space<vmem>>
        tpu.wait_dma2 semaphore(%arg10 : memref<!tpu.dma_semaphore, #tpu.memory_space<semaphore_mem>>) src(%dma_wait3A_291 : memref<128x32xf32, #tpu.memory_space<vmem>>) dst(%dma_wait3A_287 : memref<128x32xf32, #tpu.memory_space<hbm>>)
        %mul3A_292 = arith.constant 8 : i32
        %mul3A_293 = arith.muli %sub3A_138, %mul3A_292 : i32
        %add3A_294 = arith.constant 7 : i32
        %add3A_295 = arith.addi %mul3A_293, %add3A_294 : i32
        %mul3A_296 = arith.constant 200 : i32
        %mul3A_297 = arith.muli %add3A, %mul3A_296 : i32
        %add3A_298 = arith.addi %mul3A_297, %add3A_295 : i32
        %mul3A_299 = arith.constant 128 : i32
        %mul3A_300 = arith.muli %add3A_298, %mul3A_299 : i32
        %dma_wait3A_301 = arith.constant 7 : i32
        %dma_wait3A_302 = arith.constant 0 : i32
        %dma_wait3A_303 = arith.constant 0 : i32
        %dma_wait3A_304 = tpu.memref_slice %arg6[%dma_wait3A_301, %dma_wait3A_302, %dma_wait3A_303] : memref<8x128x32xf32, #tpu.memory_space<vmem>> -> memref<1x128x32xf32, #tpu.memory_space<vmem>>
        %dma_wait3A_305 = tpu.memref_squeeze %dma_wait3A_304 : memref<1x128x32xf32, #tpu.memory_space<vmem>> -> memref<128x32xf32, #tpu.memory_space<vmem>>
        %dma_wait3A_306 = arith.constant 0 : i32
        %dma_wait3A_307 = tpu.memref_slice %arg4[%mul3A_300, %dma_wait3A_306] : memref<819200x32xf32, #tpu.memory_space<hbm>> -> memref<128x32xf32, #tpu.memory_space<hbm>>
        %dma_wait3A_308 = arith.constant 0 : i32
        %dma_wait3A_309 = tpu.memref_slice %arg4[%mul3A_300, %dma_wait3A_308] : memref<819200x32xf32, #tpu.memory_space<hbm>> -> memref<128x32xf32, #tpu.memory_space<hbm>>
        %dma_wait3A_310 = arith.constant 0 : i32
        %dma_wait3A_311 = arith.constant 0 : i32
        %dma_wait3A_312 = tpu.memref_slice %arg6[%dma_wait3A_301, %dma_wait3A_310, %dma_wait3A_311] : memref<8x128x32xf32, #tpu.memory_space<vmem>> -> memref<1x128x32xf32, #tpu.memory_space<vmem>>
        %dma_wait3A_313 = tpu.memref_squeeze %dma_wait3A_312 : memref<1x128x32xf32, #tpu.memory_space<vmem>> -> memref<128x32xf32, #tpu.memory_space<vmem>>
        tpu.wait_dma2 semaphore(%arg10 : memref<!tpu.dma_semaphore, #tpu.memory_space<semaphore_mem>>) src(%dma_wait3A_313 : memref<128x32xf32, #tpu.memory_space<vmem>>) dst(%dma_wait3A_309 : memref<128x32xf32, #tpu.memory_space<hbm>>)
      } else {
      }
      %add3A_131 = arith.constant 1 : i32
      %add3A_132 = arith.addi %add3A_120, %add3A_131 : i32
      %lt3A_133 = arith.constant 25 : i32
      %lt3A_134 = arith.cmpi slt, %add3A_132, %lt3A_133 : i32
      %convert_element_type3A_135 = arith.extui %lt3A_134 : i1 to i32
      %cond3A_136 = arith.constant 0 : i32
      %cond3A_137 = arith.cmpi ne, %convert_element_type3A_135, %cond3A_136 : i32
      scf.if %cond3A_137 {
        %add3A_138 = arith.constant 1 : i32
        %add3A_139 = arith.addi %add3A_120, %add3A_138 : i32
        %mul3A_140 = arith.constant 8 : i32
        %mul3A_141 = arith.muli %add3A_139, %mul3A_140 : i32
        %add3A_142 = arith.constant 0 : i32
        %add3A_143 = arith.addi %mul3A_141, %add3A_142 : i32
        %dma_start3A_144 = arith.constant 0 : i32
        %dma_start3A_145 = arith.constant 0 : i32
        %dma_start3A_146 = arith.constant 0 : i32
        %dma_start3A_147 = tpu.memref_slice %arg6[%dma_start3A_144, %dma_start3A_145, %dma_start3A_146] : memref<8x128x32xf32, #tpu.memory_space<vmem>> -> memref<1x128x32xf32, #tpu.memory_space<vmem>>
        %dma_start3A_148 = tpu.memref_squeeze %dma_start3A_147 : memref<1x128x32xf32, #tpu.memory_space<vmem>> -> memref<128x32xf32, #tpu.memory_space<vmem>>
        %dma_start3A_149 = arith.constant 0 : i32
        %dma_start3A_150 = tpu.memref_slice %arg5[%add3A_143, %dma_start3A_149] : memref<200x128xi32, #tpu.memory_space<vmem>> -> memref<1x128xi32, #tpu.memory_space<vmem>>
        %dma_start3A_151 = tpu.memref_squeeze %dma_start3A_150 : memref<1x128xi32, #tpu.memory_space<vmem>> -> memref<128xi32, #tpu.memory_space<vmem>>
        %dma_start3A_152 = arith.constant 0 : i32
        %dma_start3A_153 = arith.constant 0 : i32
        %dma_start3A_154 = tpu.memref_slice %arg3[%dma_start3A_152, %dma_start3A_153] : memref<1000000x32xf32, #tpu.memory_space<hbm>> -> memref<1000000x32xf32, #tpu.memory_space<hbm>>
        tpu.enqueue_indirect_dma source(%dma_start3A_154 : memref<1000000x32xf32, #tpu.memory_space<hbm>>) target(%dma_start3A_148 : memref<128x32xf32, #tpu.memory_space<vmem>>) offsets(%dma_start3A_151 : memref<128xi32, #tpu.memory_space<vmem>>) semaphore(%arg8 : memref<!tpu.dma_semaphore, #tpu.memory_space<semaphore_mem>>)
        %mul3A_155 = arith.constant 8 : i32
        %mul3A_156 = arith.muli %add3A_139, %mul3A_155 : i32
        %add3A_157 = arith.constant 1 : i32
        %add3A_158 = arith.addi %mul3A_156, %add3A_157 : i32
        %dma_start3A_159 = arith.constant 1 : i32
        %dma_start3A_160 = arith.constant 0 : i32
        %dma_start3A_161 = arith.constant 0 : i32
        %dma_start3A_162 = tpu.memref_slice %arg6[%dma_start3A_159, %dma_start3A_160, %dma_start3A_161] : memref<8x128x32xf32, #tpu.memory_space<vmem>> -> memref<1x128x32xf32, #tpu.memory_space<vmem>>
        %dma_start3A_163 = tpu.memref_squeeze %dma_start3A_162 : memref<1x128x32xf32, #tpu.memory_space<vmem>> -> memref<128x32xf32, #tpu.memory_space<vmem>>
        %dma_start3A_164 = arith.constant 0 : i32
        %dma_start3A_165 = tpu.memref_slice %arg5[%add3A_158, %dma_start3A_164] : memref<200x128xi32, #tpu.memory_space<vmem>> -> memref<1x128xi32, #tpu.memory_space<vmem>>
        %dma_start3A_166 = tpu.memref_squeeze %dma_start3A_165 : memref<1x128xi32, #tpu.memory_space<vmem>> -> memref<128xi32, #tpu.memory_space<vmem>>
        %dma_start3A_167 = arith.constant 0 : i32
        %dma_start3A_168 = arith.constant 0 : i32
        %dma_start3A_169 = tpu.memref_slice %arg3[%dma_start3A_167, %dma_start3A_168] : memref<1000000x32xf32, #tpu.memory_space<hbm>> -> memref<1000000x32xf32, #tpu.memory_space<hbm>>
        tpu.enqueue_indirect_dma source(%dma_start3A_169 : memref<1000000x32xf32, #tpu.memory_space<hbm>>) target(%dma_start3A_163 : memref<128x32xf32, #tpu.memory_space<vmem>>) offsets(%dma_start3A_166 : memref<128xi32, #tpu.memory_space<vmem>>) semaphore(%arg8 : memref<!tpu.dma_semaphore, #tpu.memory_space<semaphore_mem>>)
        %mul3A_170 = arith.constant 8 : i32
        %mul3A_171 = arith.muli %add3A_139, %mul3A_170 : i32
        %add3A_172 = arith.constant 2 : i32
        %add3A_173 = arith.addi %mul3A_171, %add3A_172 : i32
        %dma_start3A_174 = arith.constant 2 : i32
        %dma_start3A_175 = arith.constant 0 : i32
        %dma_start3A_176 = arith.constant 0 : i32
        %dma_start3A_177 = tpu.memref_slice %arg6[%dma_start3A_174, %dma_start3A_175, %dma_start3A_176] : memref<8x128x32xf32, #tpu.memory_space<vmem>> -> memref<1x128x32xf32, #tpu.memory_space<vmem>>
        %dma_start3A_178 = tpu.memref_squeeze %dma_start3A_177 : memref<1x128x32xf32, #tpu.memory_space<vmem>> -> memref<128x32xf32, #tpu.memory_space<vmem>>
        %dma_start3A_179 = arith.constant 0 : i32
        %dma_start3A_180 = tpu.memref_slice %arg5[%add3A_173, %dma_start3A_179] : memref<200x128xi32, #tpu.memory_space<vmem>> -> memref<1x128xi32, #tpu.memory_space<vmem>>
        %dma_start3A_181 = tpu.memref_squeeze %dma_start3A_180 : memref<1x128xi32, #tpu.memory_space<vmem>> -> memref<128xi32, #tpu.memory_space<vmem>>
        %dma_start3A_182 = arith.constant 0 : i32
        %dma_start3A_183 = arith.constant 0 : i32
        %dma_start3A_184 = tpu.memref_slice %arg3[%dma_start3A_182, %dma_start3A_183] : memref<1000000x32xf32, #tpu.memory_space<hbm>> -> memref<1000000x32xf32, #tpu.memory_space<hbm>>
        tpu.enqueue_indirect_dma source(%dma_start3A_184 : memref<1000000x32xf32, #tpu.memory_space<hbm>>) target(%dma_start3A_178 : memref<128x32xf32, #tpu.memory_space<vmem>>) offsets(%dma_start3A_181 : memref<128xi32, #tpu.memory_space<vmem>>) semaphore(%arg8 : memref<!tpu.dma_semaphore, #tpu.memory_space<semaphore_mem>>)
        %mul3A_185 = arith.constant 8 : i32
        %mul3A_186 = arith.muli %add3A_139, %mul3A_185 : i32
        %add3A_187 = arith.constant 3 : i32
        %add3A_188 = arith.addi %mul3A_186, %add3A_187 : i32
        %dma_start3A_189 = arith.constant 3 : i32
        %dma_start3A_190 = arith.constant 0 : i32
        %dma_start3A_191 = arith.constant 0 : i32
        %dma_start3A_192 = tpu.memref_slice %arg6[%dma_start3A_189, %dma_start3A_190, %dma_start3A_191] : memref<8x128x32xf32, #tpu.memory_space<vmem>> -> memref<1x128x32xf32, #tpu.memory_space<vmem>>
        %dma_start3A_193 = tpu.memref_squeeze %dma_start3A_192 : memref<1x128x32xf32, #tpu.memory_space<vmem>> -> memref<128x32xf32, #tpu.memory_space<vmem>>
        %dma_start3A_194 = arith.constant 0 : i32
        %dma_start3A_195 = tpu.memref_slice %arg5[%add3A_188, %dma_start3A_194] : memref<200x128xi32, #tpu.memory_space<vmem>> -> memref<1x128xi32, #tpu.memory_space<vmem>>
        %dma_start3A_196 = tpu.memref_squeeze %dma_start3A_195 : memref<1x128xi32, #tpu.memory_space<vmem>> -> memref<128xi32, #tpu.memory_space<vmem>>
        %dma_start3A_197 = arith.constant 0 : i32
        %dma_start3A_198 = arith.constant 0 : i32
        %dma_start3A_199 = tpu.memref_slice %arg3[%dma_start3A_197, %dma_start3A_198] : memref<1000000x32xf32, #tpu.memory_space<hbm>> -> memref<1000000x32xf32, #tpu.memory_space<hbm>>
        tpu.enqueue_indirect_dma source(%dma_start3A_199 : memref<1000000x32xf32, #tpu.memory_space<hbm>>) target(%dma_start3A_193 : memref<128x32xf32, #tpu.memory_space<vmem>>) offsets(%dma_start3A_196 : memref<128xi32, #tpu.memory_space<vmem>>) semaphore(%arg8 : memref<!tpu.dma_semaphore, #tpu.memory_space<semaphore_mem>>)
        %mul3A_200 = arith.constant 8 : i32
        %mul3A_201 = arith.muli %add3A_139, %mul3A_200 : i32
        %add3A_202 = arith.constant 4 : i32
        %add3A_203 = arith.addi %mul3A_201, %add3A_202 : i32
        %dma_start3A_204 = arith.constant 4 : i32
        %dma_start3A_205 = arith.constant 0 : i32
        %dma_start3A_206 = arith.constant 0 : i32
        %dma_start3A_207 = tpu.memref_slice %arg6[%dma_start3A_204, %dma_start3A_205, %dma_start3A_206] : memref<8x128x32xf32, #tpu.memory_space<vmem>> -> memref<1x128x32xf32, #tpu.memory_space<vmem>>
        %dma_start3A_208 = tpu.memref_squeeze %dma_start3A_207 : memref<1x128x32xf32, #tpu.memory_space<vmem>> -> memref<128x32xf32, #tpu.memory_space<vmem>>
        %dma_start3A_209 = arith.constant 0 : i32
        %dma_start3A_210 = tpu.memref_slice %arg5[%add3A_203, %dma_start3A_209] : memref<200x128xi32, #tpu.memory_space<vmem>> -> memref<1x128xi32, #tpu.memory_space<vmem>>
        %dma_start3A_211 = tpu.memref_squeeze %dma_start3A_210 : memref<1x128xi32, #tpu.memory_space<vmem>> -> memref<128xi32, #tpu.memory_space<vmem>>
        %dma_start3A_212 = arith.constant 0 : i32
        %dma_start3A_213 = arith.constant 0 : i32
        %dma_start3A_214 = tpu.memref_slice %arg3[%dma_start3A_212, %dma_start3A_213] : memref<1000000x32xf32, #tpu.memory_space<hbm>> -> memref<1000000x32xf32, #tpu.memory_space<hbm>>
        tpu.enqueue_indirect_dma source(%dma_start3A_214 : memref<1000000x32xf32, #tpu.memory_space<hbm>>) target(%dma_start3A_208 : memref<128x32xf32, #tpu.memory_space<vmem>>) offsets(%dma_start3A_211 : memref<128xi32, #tpu.memory_space<vmem>>) semaphore(%arg8 : memref<!tpu.dma_semaphore, #tpu.memory_space<semaphore_mem>>)
        %mul3A_215 = arith.constant 8 : i32
        %mul3A_216 = arith.muli %add3A_139, %mul3A_215 : i32
        %add3A_217 = arith.constant 5 : i32
        %add3A_218 = arith.addi %mul3A_216, %add3A_217 : i32
        %dma_start3A_219 = arith.constant 5 : i32
        %dma_start3A_220 = arith.constant 0 : i32
        %dma_start3A_221 = arith.constant 0 : i32
        %dma_start3A_222 = tpu.memref_slice %arg6[%dma_start3A_219, %dma_start3A_220, %dma_start3A_221] : memref<8x128x32xf32, #tpu.memory_space<vmem>> -> memref<1x128x32xf32, #tpu.memory_space<vmem>>
        %dma_start3A_223 = tpu.memref_squeeze %dma_start3A_222 : memref<1x128x32xf32, #tpu.memory_space<vmem>> -> memref<128x32xf32, #tpu.memory_space<vmem>>
        %dma_start3A_224 = arith.constant 0 : i32
        %dma_start3A_225 = tpu.memref_slice %arg5[%add3A_218, %dma_start3A_224] : memref<200x128xi32, #tpu.memory_space<vmem>> -> memref<1x128xi32, #tpu.memory_space<vmem>>
        %dma_start3A_226 = tpu.memref_squeeze %dma_start3A_225 : memref<1x128xi32, #tpu.memory_space<vmem>> -> memref<128xi32, #tpu.memory_space<vmem>>
        %dma_start3A_227 = arith.constant 0 : i32
        %dma_start3A_228 = arith.constant 0 : i32
        %dma_start3A_229 = tpu.memref_slice %arg3[%dma_start3A_227, %dma_start3A_228] : memref<1000000x32xf32, #tpu.memory_space<hbm>> -> memref<1000000x32xf32, #tpu.memory_space<hbm>>
        tpu.enqueue_indirect_dma source(%dma_start3A_229 : memref<1000000x32xf32, #tpu.memory_space<hbm>>) target(%dma_start3A_223 : memref<128x32xf32, #tpu.memory_space<vmem>>) offsets(%dma_start3A_226 : memref<128xi32, #tpu.memory_space<vmem>>) semaphore(%arg8 : memref<!tpu.dma_semaphore, #tpu.memory_space<semaphore_mem>>)
        %mul3A_230 = arith.constant 8 : i32
        %mul3A_231 = arith.muli %add3A_139, %mul3A_230 : i32
        %add3A_232 = arith.constant 6 : i32
        %add3A_233 = arith.addi %mul3A_231, %add3A_232 : i32
        %dma_start3A_234 = arith.constant 6 : i32
        %dma_start3A_235 = arith.constant 0 : i32
        %dma_start3A_236 = arith.constant 0 : i32
        %dma_start3A_237 = tpu.memref_slice %arg6[%dma_start3A_234, %dma_start3A_235, %dma_start3A_236] : memref<8x128x32xf32, #tpu.memory_space<vmem>> -> memref<1x128x32xf32, #tpu.memory_space<vmem>>
        %dma_start3A_238 = tpu.memref_squeeze %dma_start3A_237 : memref<1x128x32xf32, #tpu.memory_space<vmem>> -> memref<128x32xf32, #tpu.memory_space<vmem>>
        %dma_start3A_239 = arith.constant 0 : i32
        %dma_start3A_240 = tpu.memref_slice %arg5[%add3A_233, %dma_start3A_239] : memref<200x128xi32, #tpu.memory_space<vmem>> -> memref<1x128xi32, #tpu.memory_space<vmem>>
        %dma_start3A_241 = tpu.memref_squeeze %dma_start3A_240 : memref<1x128xi32, #tpu.memory_space<vmem>> -> memref<128xi32, #tpu.memory_space<vmem>>
        %dma_start3A_242 = arith.constant 0 : i32
        %dma_start3A_243 = arith.constant 0 : i32
        %dma_start3A_244 = tpu.memref_slice %arg3[%dma_start3A_242, %dma_start3A_243] : memref<1000000x32xf32, #tpu.memory_space<hbm>> -> memref<1000000x32xf32, #tpu.memory_space<hbm>>
        tpu.enqueue_indirect_dma source(%dma_start3A_244 : memref<1000000x32xf32, #tpu.memory_space<hbm>>) target(%dma_start3A_238 : memref<128x32xf32, #tpu.memory_space<vmem>>) offsets(%dma_start3A_241 : memref<128xi32, #tpu.memory_space<vmem>>) semaphore(%arg8 : memref<!tpu.dma_semaphore, #tpu.memory_space<semaphore_mem>>)
        %mul3A_245 = arith.constant 8 : i32
        %mul3A_246 = arith.muli %add3A_139, %mul3A_245 : i32
        %add3A_247 = arith.constant 7 : i32
        %add3A_248 = arith.addi %mul3A_246, %add3A_247 : i32
        %dma_start3A_249 = arith.constant 7 : i32
        %dma_start3A_250 = arith.constant 0 : i32
        %dma_start3A_251 = arith.constant 0 : i32
        %dma_start3A_252 = tpu.memref_slice %arg6[%dma_start3A_249, %dma_start3A_250, %dma_start3A_251] : memref<8x128x32xf32, #tpu.memory_space<vmem>> -> memref<1x128x32xf32, #tpu.memory_space<vmem>>
        %dma_start3A_253 = tpu.memref_squeeze %dma_start3A_252 : memref<1x128x32xf32, #tpu.memory_space<vmem>> -> memref<128x32xf32, #tpu.memory_space<vmem>>
        %dma_start3A_254 = arith.constant 0 : i32
        %dma_start3A_255 = tpu.memref_slice %arg5[%add3A_248, %dma_start3A_254] : memref<200x128xi32, #tpu.memory_space<vmem>> -> memref<1x128xi32, #tpu.memory_space<vmem>>
        %dma_start3A_256 = tpu.memref_squeeze %dma_start3A_255 : memref<1x128xi32, #tpu.memory_space<vmem>> -> memref<128xi32, #tpu.memory_space<vmem>>
        %dma_start3A_257 = arith.constant 0 : i32
        %dma_start3A_258 = arith.constant 0 : i32
        %dma_start3A_259 = tpu.memref_slice %arg3[%dma_start3A_257, %dma_start3A_258] : memref<1000000x32xf32, #tpu.memory_space<hbm>> -> memref<1000000x32xf32, #tpu.memory_space<hbm>>
        tpu.enqueue_indirect_dma source(%dma_start3A_259 : memref<1000000x32xf32, #tpu.memory_space<hbm>>) target(%dma_start3A_253 : memref<128x32xf32, #tpu.memory_space<vmem>>) offsets(%dma_start3A_256 : memref<128xi32, #tpu.memory_space<vmem>>) semaphore(%arg8 : memref<!tpu.dma_semaphore, #tpu.memory_space<semaphore_mem>>)
      } else {
      }
    }
    %scan3A_100 = arith.constant 13 : i32
    return
  }
}

</mosaic_0001>

<sc_bundles>
// kernel: kernel.3.cloned.1.call-start
scs
__scs_entry_jumppad:
0x0: {  	(pc) =	sbr.rel $0x88, $3  }
0x1: {  	(tag) =	ssettag $0x0;
	lr =	simm.s32 $0x1  }
0x2: {  	[smem:$0x3F9F] =	sst lr;
	_ =	strace $0xD0000000  }
0x3: {  	_ = 	snop  }
0x4: {  	_ = 	snop  }
0x5: {  	_ = 	snop  }
0x6: {  	_ = 	snop  }
0x7: {  	_ = 	snop  }
__scs_overlays_trampoline_lowered:
0x8: {  	[smem:$0x3FAE] =	sst s0  }
0x9: {  	[smem:$0x3FAF] =	sst s1  }
0xa: {  	[smem:$0x3FB0] =	sst s2  }
0xb: {  	[smem:$0x3FB1] =	sst s3  }
0xc: {  	[smem:$0x3FB2] =	sst s4  }
0xd: {  	[smem:$0x3FB3] =	sst s5  }
0xe: {  	[smem:$0x3FB4] =	sst s6  }
0xf: {  	[smem:$0x3FB5] =	sst s7  }
0x10: {  	[smem:$0x3FB6] =	sst s8  }
0x11: {  	[smem:$0x3FB7] =	sst s9;
	s0 =	simm.s32 @!p0 $0x0  }
0x12: {  	s1 =	sld [smem:$0x3F9D];
	s0 =	simm.s32 @p0 $0x1  }
0x13: {  	[smem:$0x3FB8] =	sst s0;
	s0 =	simm.s32 @!p1 $0x0  }
0x14: {  	s2 =	sld [smem:$0x3F9C];
	s0 =	simm.s32 @p1 $0x1  }
0x15: {  	[smem:$0x3FB9] =	sst s0;
	s0 =	simm.s32 @!p2 $0x0  }
0x16: {  	s3 =	sld [smem:$0x3FDB];
	s0 =	simm.s32 @p2 $0x1  }
0x17: {  	s4 =	simm.s32 $0x1BF5;
	[smem:$0x3FBB] =	sst s0  }
0x18: {  	s0 =	sld [smem:$0x3F9E];
	_ =	swait.ge [sflag:s4], $0x0  }
0x19: {  	s7 =	sld [smem:$0x3F9F]  }
0x1a: {  	s8 =	sadd.s32 $0xFFFFE003, lr  }
0x1b: {  	s9 =	sadd.s32 $0xFFFFFEF7, lr;
	s5 =	simm.s32 $0xFFFFFFFF;
	p2 =	slt.u32 s8, $0xFFFFF086  }
0x1c: {  	p1 =	slt.u32 s9, $0xF7A;
	s5 =	simm.s32 @!p2 $0x0  }
0x1d: {  	s5 =	simm.s32 @p1 $0x1;
	p0 =	seq.s32 s7, s2  }
0x1e: {  	s7 =	smul.u32 @!p0 $0xF7A, s2;
	p2 =	seq.s32 @!p0 s5, $0x0  }
0x1f: {  	s9 =	smul.u32 $0xF7A, s1;
	s8 =	simm.s32 @!p0 $0x1BF5;
	p2 =	por !p2, p0  }
0x20: {  	[sflag:s8] =	ssyncset.s32 @!p0 $0xFFFFF086;
	s6 =	sadd.s32 @!p0 s3, s7;
	s7 =	simm.s32 @!p0 $0x108  }
0x21: {  	s3 =	sadd.s32 s3, s9;
	s6 =	sadd.s32 @!p0 $0x88, s6;
	s7 =	simm.s32 @p2 $0x1082  }
0x22: {  	[simem:s7], [sflag:s8] =	dma.local @!p0 [hbm:s6], $0xF7A  }
0x23: {  	s9 =	sor.u32 $0xD0000000, s2;
	s6 =	simm.s32 $0x108;
	_ =	swait.ge @!p0 [sflag:s8], $0x0  }
0x24: {  	s3 =	sadd.s32 $0x88, s3;
	s6 =	simm.s32 @!p1 $0x1082;
	[sflag:s4] =	ssyncset.s32 $0xFFFFF086  }
0x25: {  	[simem:s6], [sflag:s4] =	dma.local [hbm:s3], $0xF7A  }
0x26: {  	[smem:$0x3F9F] =	sst s1;
	(tag) =	ssettag s2;
	_ =	strace s9  }
0x27: {  	s1 =	sld [smem:$0x3FAF]  }
0x28: {  	s2 =	sld [smem:$0x3FB0]  }
0x29: {  	s4 =	sld [smem:$0x3FB2]  }
0x2a: {  	p0 =	seq.s32 s5, $0x0;
	s5 =	sld [smem:$0x3FB3]  }
0x2b: {  	s6 =	sld [smem:$0x3FB4]  }
0x2c: {  	s7 =	sld [smem:$0x3FB5]  }
0x2d: {  	s3 =	simm.s32 $0x108;
	s8 =	sld [smem:$0x3FB6]  }
0x2e: {  	s3 =	simm.s32 @!p0 $0x1082;
	s9 =	sld [smem:$0x3FB7]  }
0x2f: {  	lr =	sadd.s32 s0, s3;
	s0 =	sld [smem:$0x3FAE]  }
0x30: {  	s3 =	sld [smem:$0x3FB1]  }
0x31: {  	[smem:$0x3FBA] =	sst s10  }
0x32: {  	s10 =	sld [smem:$0x3FB8];
	_ =	sdelay $0x3  }
0x33: {  	p0 =	seq.s32 s10, $0x1;
	s10 =	sld [smem:$0x3FBA];
	_ =	sdelay $0x3  }
0x34: {  	[smem:$0x3FBA] =	sst s10  }
0x35: {  	s10 =	sld [smem:$0x3FB9];
	_ =	sdelay $0x3  }
0x36: {  	p1 =	seq.s32 s10, $0x1;
	s10 =	sld [smem:$0x3FBA];
	_ =	sdelay $0x3  }
0x37: {  	[smem:$0x3FBA] =	sst s10  }
0x38: {  	s10 =	sld [smem:$0x3FBB]  }
0x39: {  	_ = 	snop;
	(pc) =	sbr.ind lr, $3  }
0x3a: {  	_ = 	snop  }
0x3b: {  	_ = 	snop  }
0x3c: {  	p2 =	seq.s32 s10, $0x1;
	s10 =	sld [smem:$0x3FBA]  }
0x3d: {  	_ =	shalt  }
0x3e: {  	_ =	shalt  }
0x3f: {  	_ =	shalt  }
0x40: {  	_ =	shalt  }
0x41: {  	_ =	shalt  }
0x42: {  	_ =	shalt  }
0x43: {  	_ =	shalt  }
0x44: {  	_ =	shalt  }
0x45: {  	_ =	shalt  }
0x46: {  	_ =	shalt  }
0x47: {  	_ =	shalt  }
0x48: {  	_ =	shalt  }
0x49: {  	_ =	shalt  }
0x4a: {  	_ =	shalt  }
0x4b: {  	_ =	shalt  }
0x4c: {  	_ =	shalt  }
0x4d: {  	_ =	shalt  }
0x4e: {  	_ =	shalt  }
0x4f: {  	_ =	shalt  }
0x50: {  	_ =	shalt  }
0x51: {  	_ =	shalt  }
0x52: {  	_ =	shalt  }
0x53: {  	_ =	shalt  }
0x54: {  	_ =	shalt  }
0x55: {  	_ =	shalt  }
0x56: {  	_ =	shalt  }
0x57: {  	_ =	shalt  }
0x58: {  	_ =	shalt  }
0x59: {  	_ =	shalt  }
0x5a: {  	_ =	shalt  }
0x5b: {  	_ =	shalt  }
0x5c: {  	_ =	shalt  }
0x5d: {  	_ =	shalt  }
0x5e: {  	_ =	shalt  }
0x5f: {  	_ =	shalt  }
0x60: {  	_ =	shalt  }
0x61: {  	_ =	shalt  }
0x62: {  	_ =	shalt  }
0x63: {  	_ =	shalt  }
0x64: {  	_ =	shalt  }
0x65: {  	_ =	shalt  }
0x66: {  	_ =	shalt  }
0x67: {  	_ =	shalt  }
0x68: {  	_ =	shalt  }
0x69: {  	_ =	shalt  }
0x6a: {  	_ =	shalt  }
0x6b: {  	_ =	shalt  }
0x6c: {  	_ =	shalt  }
0x6d: {  	_ =	shalt  }
0x6e: {  	_ =	shalt  }
0x6f: {  	_ =	shalt  }
0x70: {  	_ =	shalt  }
0x71: {  	_ =	shalt  }
0x72: {  	_ =	shalt  }
0x73: {  	_ =	shalt  }
0x74: {  	_ =	shalt  }
0x75: {  	_ =	shalt  }
0x76: {  	_ =	shalt  }
0x77: {  	_ =	shalt  }
0x78: {  	_ =	shalt  }
0x79: {  	_ =	shalt  }
0x7a: {  	_ =	shalt  }
0x7b: {  	_ =	shalt  }
0x7c: {  	_ =	shalt  }
0x7d: {  	_ =	shalt  }
0x7e: {  	_ =	shalt  }
0x7f: {  	_ =	shalt  }
0x80: {  	_ =	shalt  }
0x81: {  	_ =	shalt  }
0x82: {  	_ =	shalt  }
0x83: {  	_ =	shalt  }
0x84: {  	_ =	shalt  }
0x85: {  	_ =	shalt  }
0x86: {  	_ =	shalt  }
0x87: {  	_ =	shalt  }
.Lfunc_end0:
.L_simem_size_0:
called_computation.2_lowered:
.L_overlay_start_0:
0x88: {  	s2 =	sld [smem:$0x3FD9]  }
0x89: {  	s3 =	sld [smem:$0x3FFE];
	_ =	sdelay $0x1  }
0x8a: {  	s1 =	srdreg.scid  }
0x8b: {  	s0 =	sand.u32 $0x1, s1  }
0x8c: {  	s17 =	sshll.u32 s0, $0xA;
	s2 =	sadd.s32 s3, s2  }
0x8d: {  	s2 =	sadd.s32 s2, s17  }
0x8e: {  	[smem:$0x3FC6] =	sst s2  }
0x8f: {  	_ = 	snop  }
0x90: {  	s2 =	sld [smem:$0x3FD0];
	(tm) =	ssettm $0x1  }
0x91: {  	s18 =	sld [smem:$0x3FFB];
	_ =	sdelay $0x3  }
0x92: {  	_ =	strace s18  }
0x93: {  	s3 =	sld [smem:$0x3FFC];
	_ =	sdelay $0x3  }
0x94: {  	_ =	strace s3  }
0x95: {  	s3 =	sld [smem:$0x3FFD];
	_ =	sdelay $0x3  }
0x96: {  	_ =	strace s3  }
0x97: {  	_ =	strace $0x8FFFFFFF  }
0x98: {  	s19 =	sld [smem:$0x3FDB];
	_ =	sdelay $0x1  }
0x99: {  	s4 =	simm.s32 $_scs_section_size  }
0x9a: {  	s5 =	simm.s32 $_size__tile_overlayer_lowered;
	s6 =	simm.s32 $_tile_overlayer_lowered  }
0x9b: {  	s22 =	simm.s32 $0x1BFF;
	s21 =	sshll.u32 s6, $0x1;
	s3 =	sadd.s32 s4, s19  }
0x9c: {  	s7 =	simm.s32 $0x0;
	s20 =	sshll.u32 s5, $0x1;
	s5 =	sadd.s32 s21, s3  }
0x9d: {  	[timem:s7], [sflag:s22] =	dma.local [hbm:s5], s20  }
0x9e: {  	_ =	swait.ge [sflag:s22], s20  }
0x9f: {  	s4 =	ssub.s32 $0x0, s20;
	[sflag:s22] =	ssyncset.done $0x0  }
0xa0: {  	[sflag:s22] =	ssyncadd.s32 s4;
	_ =	sdelay $0x1  }
0xa1: {  	s23 =	simm.s32 $0x1B8B  }
0xa2: {  	_ =	swait.ge [sflag:s23], $0x1  }
0xa3: {  	[sflag:s23] =	ssyncset.done $0x0  }
0xa4: {  	s25 =	simm.s32 $0x1B8E;
	s24 =	sld [smem:$0x3FFE];
	[sflag:s23] =	ssyncadd.s32 $0xFFFFFFFF  }
0xa5: {  	s26 =	simm.s32 $execute0_lowered;
	[smem:$0x3FD2] =	sst s25  }
0xa6: {  	s5 =	sshll.u32 s26, $0x1;
	_ =	strace $0x80000046;
	[dreg:$0x1] =	wrdreg $0xFFFFFFFF  }
0xa7: {  	s28 =	simm.s32 $_size_execute0_lowered;
	s3 =	sadd.s32 s3, s5;
	[dreg:$0x0] =	wrdreg $0x0  }
0xa8: {  	s5 =	sshll.u32 s28, $0x1;
	[dreg:$0x2] =	wrdreg s3  }
0xa9: {  	[dreg:$0x3] =	wrdreg s5  }
0xaa: {  	[dreg:$0x4] =	wrdreg $0xC0  }
0xab: {  	_ =	task [dreg:s7], $0x5FFFF  }
0xac: {  	[dreg:$0x1] =	wrdreg $0xFFFFFFFF  }
0xad: {  	[dreg:$0x0] =	wrdreg $0x60  }
0xae: {  	[dreg:$0x2] =	wrdreg s24  }
0xaf: {  	[dreg:$0x3] =	wrdreg s2  }
0xb0: {  	[dreg:$0x4] =	wrdreg $0x9  }
0xb1: {  	_ =	task.clear_ibuf [dreg:s7], $0x5FFFF;
	_ =	strace $0x90000046  }
0xb2: {  	s29 =	simm.s32 $0x9;
	_ =	strace $0x80000048  }
0xb3: {  	_ =	swait.ge [sflag:s29], $0x1  }
0xb4: {  	[sflag:s29] =	ssyncadd.s32 $0xFFFFFFFF  }
0xb5: {  	_ =	strace $0x90000048  }
0xb6: {  	_ =	sfence  }
0xb7: {  	s30 =	sld [smem:$0x0];
	_ =	sdelay $0x2  }
0xb8: {  	s31 =	sshll.u32 s1, $0xD;
	s1 =	sshrl.u32 s1, $0x2  }
0xb9: {  	s3 =	sand.u32 $0x4000, s31;
	s1 =	sadd.s32 s1, s30  }
0xba: {  	s0 =	sor.u32 s3, s0;
	s1 =	sshll.u32 s1, $0x11  }
0xbb: {  	s0 =	sor.u32 s1, s0  }
0xbc: {  	s0 =	sadd.s32 $0x8F2B, s0  }
0xbd: {  	[sflag:s0] =	ssyncadd.remote.s32 $0x1  }
0xbe: {  	_ =	sfence.sel $0xFFFF  }
0xbf: {  	[dreg:$0x0] =	wrdreg $0xFFFFFFFF;
	(pc) =	sbr.abs _section_cstart, $3  }
0xc0: {  	[dreg:$0x1] =	wrdreg $0xFFFFFFFF  }
0xc1: {  	_ =	task.clear_ibuf [dreg:s7], $0x2FFFF;
	_ =	strace $0x9FFFFFFF  }
0xc2: {  	(tm) =	ssettm $0x7FFFFFFF  }
0xc3: {  	_ =	shalt  }
tec
execute0_lowered:
.L_overlay_start_1:
0x0: {  	(tag) =	ssettag $0x1  }
0x1: {  	s0 =	srdreg.scid  }
0x2: {  	s10 =	stileid.u32;
	s1 =	rddreg [dreg:$0x0]  }
0x3: {  	s2 =	rddreg [dreg:$0x1];
	s14 =	simm.s32 $0x80;
	s15 =	simm.s32 $0x6400  }
0x4: {  	s16 =	simm.s32 $0x7400;
	s17 =	simm.s32 $0x8400;
	s18 =	simm.s32 $0x9400  }
0x5: {  	s19 =	simm.s32 $0xA400;
	s20 =	simm.s32 $0xB400;
	s21 =	simm.s32 $0xC400  }
0x6: {  	s22 =	simm.s32 $0xD400;
	s30 =	simm.s32 $0x1;
	s6 =	smul.u32 $0x190, s10  }
0x7: {  	s0 =	sand.u32 $0x1, s0;
	s3 =	sshll.u32 s10, $0x1;
	s26 =	smul.u32 $0x32000, s10  }
0x8: {  	s28 =	simm.s32 $0x2;
	s5 =	sor.u32 s0, s3;
	s8 =	smul.u32 $0xC8, s0  }
0x9: {  	s3 =	simm.s32 $0x0;
	s7 =	ssub.s32 $0x2, s0;
	s0 =	smul.u32 $0x19000, s0  }
0xa: {  	s29 =	simm.s32 $0x14400;
	s4 =	smul.u32 $0xC80, s5;
	[smem:$0x7FF] =	sst s3  }
0xb: {  	s24 =	sshrl.u32 s7, $0x1;
	s5 =	smul.u32 $0xC8, s5;
	s31 =	sadd.s32 s26, s2  }
0xc: {  	s26 =	simm.s32 $0x13400;
	_ =	strace $0x80000047;
	s6 =	sadd.s32 s8, s6  }
0xd: {  	s12 =	sadd.s32 s0, s31;
	s9 =	sadd.s32 s4, s1;
	s4 =	sadd.s32 $0xF43200, s1  }
.Ltmp0:
0xe: {  	s1 =	ssub.s32 s7, s24;
	s6 =	sshll.u32 s6, $0x9;
	(pc) =	sbr.rel .LBB2_1-.Ltmp0, $4  }
0xf: {  	s24 =	simm.s32 $0x12400;
	s25 =	sadd.s32 $0xE00, s9;
	s1 =	smax.u32 s1, $0x1  }
0x10: {  	s8 =	sadd.s32 s6, s2;
	s6 =	simm.s32 $0x3;
	[dreg:$0x3] =	wrdreg s25  }
0x11: {  	s2 =	simm.s32 $0x15400;
	[dreg:$0x4] =	wrdreg s1;
	s9 =	sadd.s32 $0xC00, s8  }
0x12: {  	s10 =	sadd.s32 $0x800, s8;
	s11 =	sadd.s32 $0x400, s8;
	s1 =	simm.s32 $0x0  }
.LBB2_6:
0x13: {  	s1 =	rddreg [dreg:$0x5]  }
0x14: {  	s0 =	rddreg [dreg:$0x4];
	s1 =	sadd.s32 $0x1, s1  }
0x15: {  	p0 =	sne.s32 s1, s0  }
.Ltmp1:
0x16: {  	_ = 	snop;
	(pc) =	sbr.rel @!p0 .LBB2_7-.Ltmp1, $1  }
0x17: {  	_ =	sdelay $0x3  }
.LBB2_1:
0x18: {  	[dreg:$0x5] =	wrdreg s1  }
0x19: {  	s0 =	rddreg [dreg:$0x3];
	s31 =	simm.s32 $0x5  }
0x1a: {  	[tilespmem:s3], [sflag:$0x5] =	stream.linear.gather [hbm4b:s0+s3], $0x6400, $0x38;
	[tilespmem:$0x16400] =	vst v63  }
0x1b: {  	_ =	swait.ge [sflag:s31], $0x6400  }
0x1c: {  	[sflag:s31] =	ssyncset.done $0x0  }
0x1d: {  	[sflag:s31] =	ssyncadd.s32 $0xFFFF9C00  }
0x1e: {  	[tilespmem:s15], [sflag:$0x1] =	stream.indirect.gather [hbm4b:s4+s14], $0x20, s3, s14, $0xb8;
	[tilespmem:$0x16400] =	vst v63  }
0x1f: {  	_ = 	snop  }
0x20: {  	[tilespmem:s16], [sflag:$0x1] =	stream.indirect.gather [hbm4b:s4+s14], $0x20, s14, s14, $0xb8;
	[tilespmem:$0x16400] =	vst v63  }
0x21: {  	s1 =	simm.s32 $0x100  }
0x22: {  	[tilespmem:s17], [sflag:$0x1] =	stream.indirect.gather [hbm4b:s4+s14], $0x20, s1, s14, $0xb8;
	[tilespmem:$0x16400] =	vst v63  }
0x23: {  	s7 =	simm.s32 $0x180  }
0x24: {  	[tilespmem:s18], [sflag:$0x1] =	stream.indirect.gather [hbm4b:s4+s14], $0x20, s7, s14, $0xb8;
	[tilespmem:$0x16400] =	vst v63  }
0x25: {  	s13 =	simm.s32 $0x200  }
0x26: {  	[tilespmem:s19], [sflag:$0x1] =	stream.indirect.gather [hbm4b:s4+s14], $0x20, s13, s14, $0xb8;
	[tilespmem:$0x16400] =	vst v63  }
0x27: {  	s23 =	simm.s32 $0x280  }
0x28: {  	[tilespmem:s20], [sflag:$0x1] =	stream.indirect.gather [hbm4b:s4+s14], $0x20, s23, s14, $0xb8;
	[tilespmem:$0x16400] =	vst v63  }
0x29: {  	s25 =	simm.s32 $0x300  }
0x2a: {  	[tilespmem:s21], [sflag:$0x1] =	stream.indirect.gather [hbm4b:s4+s14], $0x20, s25, s14, $0xb8;
	[tilespmem:$0x16400] =	vst v63  }
0x2b: {  	s31 =	simm.s32 $0x380;
	s7 =	simm.s32 $0x0;
	s13 =	simm.s32 $0x1  }
0x2c: {  	[tilespmem:s22], [sflag:$0x1] =	stream.indirect.gather [hbm4b:s4+s14], $0x20, s31, s14, $0xb8;
	[tilespmem:$0x16400] =	vst v63  }
.LBB2_2:
0x2d: {  	_ =	swait.ge [sflag:s30], $0x1000  }
0x2e: {  	[sflag:s30] =	ssyncset.done $0x0  }
0x2f: {  	[sflag:s30] =	ssyncadd.s32 $0xFFFFF000  }
0x30: {  	_ =	swait.ge [sflag:s30], $0x1000  }
0x31: {  	[sflag:s30] =	ssyncset.done $0x0  }
0x32: {  	[sflag:s30] =	ssyncadd.s32 $0xFFFFF000  }
0x33: {  	_ =	swait.ge [sflag:s30], $0x1000  }
0x34: {  	[sflag:s30] =	ssyncset.done $0x0  }
0x35: {  	[sflag:s30] =	ssyncadd.s32 $0xFFFFF000  }
0x36: {  	_ =	swait.ge [sflag:s30], $0x1000  }
0x37: {  	[sflag:s30] =	ssyncset.done $0x0  }
0x38: {  	[sflag:s30] =	ssyncadd.s32 $0xFFFFF000  }
0x39: {  	_ =	swait.ge [sflag:s30], $0x1000  }
0x3a: {  	[sflag:s30] =	ssyncset.done $0x0  }
0x3b: {  	[sflag:s30] =	ssyncadd.s32 $0xFFFFF000  }
0x3c: {  	_ =	swait.ge [sflag:s30], $0x1000  }
0x3d: {  	[sflag:s30] =	ssyncset.done $0x0  }
0x3e: {  	[sflag:s30] =	ssyncadd.s32 $0xFFFFF000  }
0x3f: {  	_ =	swait.ge [sflag:s30], $0x1000  }
0x40: {  	[sflag:s30] =	ssyncset.done $0x0  }
0x41: {  	[sflag:s30] =	ssyncadd.s32 $0xFFFFF000  }
0x42: {  	_ =	swait.ge [sflag:s30], $0x1000  }
0x43: {  	[sflag:s30] =	ssyncset.done $0x0  }
0x44: {  	s31 =	sadd.s32 s7, s12;
	[sflag:s30] =	ssyncadd.s32 $0xFFFFF000  }
0x45: {  	[hbm4b:s31+s3] =	stream.linear.scatter [tilespmem:s15], [sflag:$0x3], $0x1000, $0x38;
	[tilespmem:$0x16400] =	vst v63  }
0x46: {  	s31 =	sadd.s32 s7, s8  }
0x47: {  	s1 =	sadd.s32 $0x200, s31  }
0x48: {  	[hbm4b:s1+s3] =	stream.linear.scatter [tilespmem:s16], [sflag:$0x3], $0x1000, $0x38;
	[tilespmem:$0x16400] =	vst v63  }
0x49: {  	s23 =	sadd.s32 s7, s11  }
0x4a: {  	[hbm4b:s23+s3] =	stream.linear.scatter [tilespmem:s17], [sflag:$0x3], $0x1000, $0x38;
	[tilespmem:$0x16400] =	vst v63  }
0x4b: {  	s25 =	sadd.s32 $0x600, s31  }
0x4c: {  	[hbm4b:s25+s3] =	stream.linear.scatter [tilespmem:s18], [sflag:$0x3], $0x1000, $0x38;
	[tilespmem:$0x16400] =	vst v63  }
0x4d: {  	s0 =	sadd.s32 s7, s10  }
0x4e: {  	[hbm4b:s0+s3] =	stream.linear.scatter [tilespmem:s19], [sflag:$0x3], $0x1000, $0x38;
	[tilespmem:$0x16400] =	vst v63  }
0x4f: {  	s23 =	sadd.s32 $0xA00, s31  }
0x50: {  	[hbm4b:s23+s3] =	stream.linear.scatter [tilespmem:s20], [sflag:$0x3], $0x1000, $0x38;
	[tilespmem:$0x16400] =	vst v63  }
0x51: {  	p0 =	seq.s32 s7, $0x0;
	s25 =	sadd.s32 s7, s9  }
0x52: {  	[hbm4b:s25+s3] =	stream.linear.scatter [tilespmem:s21], [sflag:$0x3], $0x1000, $0x38;
	[tilespmem:$0x16400] =	vst v63  }
0x53: {  	s1 =	simm.s32 @!p0 $0x4;
	s31 =	sadd.s32 $0xE00, s31  }
0x54: {  	[hbm4b:s31+s3] =	stream.linear.scatter [tilespmem:s22], [sflag:$0x3], $0x1000, $0x38;
	[tilespmem:$0x16400] =	vst v63  }
0x55: {  	_ =	swait.ge @!p0 [sflag:s1], $0x1000  }
0x56: {  	[sflag:s1] =	ssyncset.done @!p0 $0x0  }
0x57: {  	[sflag:s1] =	ssyncadd.s32 @!p0 $0xFFFFF000  }
0x58: {  	_ =	swait.ge @!p0 [sflag:s1], $0x1000  }
0x59: {  	[sflag:s1] =	ssyncset.done @!p0 $0x0  }
0x5a: {  	[sflag:s1] =	ssyncadd.s32 @!p0 $0xFFFFF000  }
0x5b: {  	_ =	swait.ge @!p0 [sflag:s1], $0x1000  }
0x5c: {  	[sflag:s1] =	ssyncset.done @!p0 $0x0  }
0x5d: {  	[sflag:s1] =	ssyncadd.s32 @!p0 $0xFFFFF000  }
0x5e: {  	_ =	swait.ge @!p0 [sflag:s1], $0x1000  }
0x5f: {  	[sflag:s1] =	ssyncset.done @!p0 $0x0  }
0x60: {  	[sflag:s1] =	ssyncadd.s32 @!p0 $0xFFFFF000  }
0x61: {  	_ =	swait.ge @!p0 [sflag:s1], $0x1000  }
0x62: {  	[sflag:s1] =	ssyncset.done @!p0 $0x0  }
0x63: {  	[sflag:s1] =	ssyncadd.s32 @!p0 $0xFFFFF000  }
0x64: {  	_ =	swait.ge @!p0 [sflag:s1], $0x1000  }
0x65: {  	[sflag:s1] =	ssyncset.done @!p0 $0x0  }
0x66: {  	p1 =	sgt.u32 @!p0 s13, $0x18;
	[sflag:s1] =	ssyncadd.s32 @!p0 $0xFFFFF000  }
0x67: {  	p1 =	por p0, !p1;
	_ =	swait.ge @!p0 [sflag:s1], $0x1000  }
.Ltmp2:
0x68: {  	[sflag:s1] =	ssyncset.done @!p0 $0x0;
	(pc) =	sbr.rel @!p1 .LBB2_4-.Ltmp2, $4  }
0x69: {  	[sflag:s1] =	ssyncadd.s32 @!p0 $0xFFFFF000  }
0x6a: {  	_ =	swait.ge @!p0 [sflag:s1], $0x1000  }
0x6b: {  	[sflag:s1] =	ssyncset.done @!p0 $0x0  }
0x6c: {  	[sflag:s1] =	ssyncadd.s32 @!p0 $0xFFFFF000  }
0x6d: {  	s1 =	smov.u32 s13  }
0x6e: {  	s1 =	simm.s32 @p0 $0x1  }
0x6f: {  	s31 =	sshll.u32 s1, $0xA;
	s0 =	sshll.u32 s1, $0x3  }
0x70: {  	s16 =	simm.s32 $0xE400;
	s31 =	sand.u32 $0x3FFFFC00, s31;
	s17 =	sor.u32 $0x1, s0  }
0x71: {  	[tilespmem:s16], [sflag:$0x2] =	stream.indirect.gather [hbm4b:s4+s14], $0x20, s31, s14, $0xb8;
	[tilespmem:$0x16400] =	vst v63  }
0x72: {  	s18 =	simm.s32 $0xF400;
	s19 =	sor.u32 $0x2, s0;
	s21 =	sshll.u32 s17, $0x7  }
0x73: {  	s22 =	sshll.u32 s19, $0x7;
	s31 =	sand.u32 $0x3FFFFC80, s21;
	s21 =	sor.u32 $0x3, s0  }
0x74: {  	[tilespmem:s18], [sflag:$0x2] =	stream.indirect.gather [hbm4b:s4+s14], $0x20, s31, s14, $0xb8;
	[tilespmem:$0x16400] =	vst v63  }
0x75: {  	s20 =	simm.s32 $0x10400;
	s31 =	sand.u32 $0x3FFFFD00, s22;
	s23 =	sshll.u32 s21, $0x7  }
0x76: {  	[tilespmem:s20], [sflag:$0x2] =	stream.indirect.gather [hbm4b:s4+s14], $0x20, s31, s14, $0xb8;
	[tilespmem:$0x16400] =	vst v63  }
0x77: {  	s31 =	sand.u32 $0x3FFFFD80, s23;
	s23 =	sor.u32 $0x4, s0  }
0x78: {  	s22 =	simm.s32 $0x11400;
	s25 =	sshll.u32 s23, $0x7  }
0x79: {  	[tilespmem:s22], [sflag:$0x2] =	stream.indirect.gather [hbm4b:s4+s14], $0x20, s31, s14, $0xb8;
	[tilespmem:$0x16400] =	vst v63  }
0x7a: {  	s31 =	sand.u32 $0x3FFFFE00, s25;
	s25 =	sor.u32 $0x5, s0  }
0x7b: {  	s15 =	sshll.u32 s25, $0x7  }
0x7c: {  	[tilespmem:s24], [sflag:$0x2] =	stream.indirect.gather [hbm4b:s4+s14], $0x20, s31, s14, $0xb8;
	[tilespmem:$0x16400] =	vst v63  }
0x7d: {  	s31 =	sand.u32 $0x3FFFFE80, s15  }
0x7e: {  	s15 =	smov.u32 s12;
	s12 =	smov.u32 s11;
	s11 =	smov.u32 s10  }
0x7f: {  	s10 =	smov.u32 s9;
	s9 =	smov.u32 s8;
	s8 =	sor.u32 $0x6, s0  }
0x80: {  	[tilespmem:s26], [sflag:$0x2] =	stream.indirect.gather [hbm4b:s4+s14], $0x20, s31, s14, $0xb8;
	[tilespmem:$0x16400] =	vst v63  }
0x81: {  	s31 =	sshll.u32 s8, $0x7  }
0x82: {  	s31 =	sand.u32 $0x3FFFFF00, s31  }
0x83: {  	[tilespmem:s29], [sflag:$0x2] =	stream.indirect.gather [hbm4b:s4+s14], $0x20, s31, s14, $0xb8;
	[tilespmem:$0x16400] =	vst v63  }
0x84: {  	s31 =	sshllo.u32 s1, $0x3  }
0x85: {  	s1 =	sshll.u32 s31, $0x7  }
0x86: {  	s1 =	sand.u32 $0x3FFFFF80, s1  }
0x87: {  	[tilespmem:s2], [sflag:$0x2] =	stream.indirect.gather [hbm4b:s4+s14], $0x20, s1, s14, $0xb8;
	[tilespmem:$0x16400] =	vst v63  }
0x88: {  	_ =	swait.ge [sflag:s28], $0x1000  }
0x89: {  	[sflag:s28] =	ssyncset.done $0x0  }
0x8a: {  	[sflag:s28] =	ssyncadd.s32 $0xFFFFF000  }
0x8b: {  	_ =	swait.ge [sflag:s28], $0x1000  }
0x8c: {  	[sflag:s28] =	ssyncset.done $0x0  }
0x8d: {  	[sflag:s28] =	ssyncadd.s32 $0xFFFFF000  }
0x8e: {  	_ =	swait.ge [sflag:s28], $0x1000  }
0x8f: {  	[sflag:s28] =	ssyncset.done $0x0  }
0x90: {  	[sflag:s28] =	ssyncadd.s32 $0xFFFFF000  }
0x91: {  	_ =	swait.ge [sflag:s28], $0x1000  }
0x92: {  	[sflag:s28] =	ssyncset.done $0x0  }
0x93: {  	[sflag:s28] =	ssyncadd.s32 $0xFFFFF000  }
0x94: {  	_ =	swait.ge [sflag:s28], $0x1000  }
0x95: {  	[sflag:s28] =	ssyncset.done $0x0  }
0x96: {  	[sflag:s28] =	ssyncadd.s32 $0xFFFFF000  }
0x97: {  	_ =	swait.ge [sflag:s28], $0x1000  }
0x98: {  	[sflag:s28] =	ssyncset.done $0x0  }
0x99: {  	[sflag:s28] =	ssyncadd.s32 $0xFFFFF000  }
0x9a: {  	_ =	swait.ge [sflag:s28], $0x1000  }
0x9b: {  	[sflag:s28] =	ssyncset.done $0x0  }
0x9c: {  	[sflag:s28] =	ssyncadd.s32 $0xFFFFF000  }
0x9d: {  	_ =	swait.ge [sflag:s28], $0x1000  }
0x9e: {  	s0 =	sadd.s32 s5, s0;
	[sflag:s28] =	ssyncset.done $0x0  }
0x9f: {  	s0 =	sshll.u32 s0, $0x9;
	[sflag:s28] =	ssyncadd.s32 $0xFFFFF000  }
0xa0: {  	s0 =	sand.u32 $0x1FFFF000, s0;
	s1 =	rddreg [dreg:$0x1]  }
0xa1: {  	s0 =	sadd.s32 s1, s0  }
0xa2: {  	[hbm4b:s0+s3] =	stream.linear.scatter [tilespmem:s16], [sflag:$0x4], $0x1000, $0x38;
	[tilespmem:$0x16400] =	vst v63  }
0xa3: {  	s0 =	sadd.s32 s5, s17  }
0xa4: {  	s0 =	sshll.u32 s0, $0x9  }
0xa5: {  	s0 =	sand.u32 $0x1FFFF200, s0  }
0xa6: {  	s0 =	sadd.s32 s1, s0  }
0xa7: {  	[hbm4b:s0+s3] =	stream.linear.scatter [tilespmem:s18], [sflag:$0x4], $0x1000, $0x38;
	[tilespmem:$0x16400] =	vst v63  }
0xa8: {  	s0 =	sadd.s32 s5, s19  }
0xa9: {  	s0 =	sshll.u32 s0, $0x9  }
0xaa: {  	s0 =	sand.u32 $0x1FFFF400, s0  }
0xab: {  	s0 =	sadd.s32 s1, s0  }
0xac: {  	[hbm4b:s0+s3] =	stream.linear.scatter [tilespmem:s20], [sflag:$0x4], $0x1000, $0x38;
	[tilespmem:$0x16400] =	vst v63  }
0xad: {  	s0 =	sadd.s32 s5, s21  }
0xae: {  	s0 =	sshll.u32 s0, $0x9  }
0xaf: {  	s0 =	sand.u32 $0x1FFFF600, s0  }
0xb0: {  	s23 =	sadd.s32 s5, s23;
	s0 =	sadd.s32 s1, s0  }
0xb1: {  	[hbm4b:s0+s3] =	stream.linear.scatter [tilespmem:s22], [sflag:$0x4], $0x1000, $0x38;
	[tilespmem:$0x16400] =	vst v63  }
0xb2: {  	s0 =	sshll.u32 s23, $0x9  }
0xb3: {  	s0 =	sand.u32 $0x1FFFF800, s0  }
0xb4: {  	s23 =	sadd.s32 s5, s25;
	s0 =	sadd.s32 s1, s0  }
0xb5: {  	[hbm4b:s0+s3] =	stream.linear.scatter [tilespmem:s24], [sflag:$0x4], $0x1000, $0x38;
	[tilespmem:$0x16400] =	vst v63  }
0xb6: {  	s0 =	sshll.u32 s23, $0x9  }
0xb7: {  	s31 =	sadd.s32 s5, s31;
	s0 =	sand.u32 $0x1FFFFA00, s0  }
0xb8: {  	s16 =	simm.s32 $0x7400;
	s25 =	sadd.s32 s5, s8;
	s0 =	sadd.s32 s1, s0  }
0xb9: {  	[hbm4b:s0+s3] =	stream.linear.scatter [tilespmem:s26], [sflag:$0x4], $0x1000, $0x38;
	[tilespmem:$0x16400] =	vst v63  }
0xba: {  	s17 =	simm.s32 $0x8400;
	s18 =	simm.s32 $0x9400;
	s0 =	sshll.u32 s25, $0x9  }
0xbb: {  	s19 =	simm.s32 $0xA400;
	s20 =	simm.s32 $0xB400;
	s0 =	sand.u32 $0x1FFFFC00, s0  }
0xbc: {  	s21 =	simm.s32 $0xC400;
	s22 =	simm.s32 $0xD400;
	s0 =	sadd.s32 s1, s0  }
0xbd: {  	[hbm4b:s0+s3] =	stream.linear.scatter [tilespmem:s29], [sflag:$0x4], $0x1000, $0x38;
	[tilespmem:$0x16400] =	vst v63  }
0xbe: {  	s8 =	smov.u32 s9;
	s9 =	smov.u32 s10;
	s0 =	sshll.u32 s31, $0x9  }
0xbf: {  	s10 =	smov.u32 s11;
	s11 =	smov.u32 s12;
	s0 =	sand.u32 $0x1FFFFE00, s0  }
0xc0: {  	s12 =	smov.u32 s15;
	s15 =	simm.s32 $0x6400;
	s0 =	sadd.s32 s1, s0  }
0xc1: {  	[hbm4b:s0+s3] =	stream.linear.scatter [tilespmem:s2], [sflag:$0x4], $0x1000, $0x38;
	[tilespmem:$0x16400] =	vst v63  }
.LBB2_4:
0xc2: {  	_ =	swait.ge [sflag:s6], $0x1000  }
0xc3: {  	[sflag:s6] =	ssyncset.done $0x0  }
0xc4: {  	[sflag:s6] =	ssyncadd.s32 $0xFFFFF000  }
0xc5: {  	_ =	swait.ge [sflag:s6], $0x1000  }
0xc6: {  	[sflag:s6] =	ssyncset.done $0x0  }
0xc7: {  	[sflag:s6] =	ssyncadd.s32 $0xFFFFF000  }
0xc8: {  	_ =	swait.ge [sflag:s6], $0x1000  }
0xc9: {  	[sflag:s6] =	ssyncset.done $0x0  }
0xca: {  	[sflag:s6] =	ssyncadd.s32 $0xFFFFF000  }
0xcb: {  	_ =	swait.ge [sflag:s6], $0x1000  }
0xcc: {  	[sflag:s6] =	ssyncset.done $0x0  }
0xcd: {  	[sflag:s6] =	ssyncadd.s32 $0xFFFFF000  }
0xce: {  	_ =	swait.ge [sflag:s6], $0x1000  }
0xcf: {  	[sflag:s6] =	ssyncset.done $0x0  }
0xd0: {  	[sflag:s6] =	ssyncadd.s32 $0xFFFFF000  }
0xd1: {  	_ =	swait.ge [sflag:s6], $0x1000  }
0xd2: {  	[sflag:s6] =	ssyncset.done $0x0  }
0xd3: {  	[sflag:s6] =	ssyncadd.s32 $0xFFFFF000  }
0xd4: {  	p0 =	seq.s32 s7, $0x18000;
	_ =	swait.ge [sflag:s6], $0x1000  }
.Ltmp3:
0xd5: {  	[sflag:s6] =	ssyncset.done $0x0;
	(pc) =	sbr.rel @p0 .LBB2_6-.Ltmp3, $4  }
0xd6: {  	[sflag:s6] =	ssyncadd.s32 $0xFFFFF000  }
0xd7: {  	_ =	swait.ge [sflag:s6], $0x1000  }
0xd8: {  	[sflag:s6] =	ssyncset.done $0x0  }
0xd9: {  	[sflag:s6] =	ssyncadd.s32 $0xFFFFF000  }
0xda: {  	s0 =	sshra.s32 s7, $0x2  }
0xdb: {  	s1 =	sadd.s32 $0x800, s0  }
0xdc: {  	[tilespmem:s15], [sflag:$0x1] =	stream.indirect.gather [hbm4b:s4+s14], $0x20, s1, s14, $0xb8;
	[tilespmem:$0x16400] =	vst v63  }
0xdd: {  	s23 =	sadd.s32 $0x880, s0  }
0xde: {  	[tilespmem:s16], [sflag:$0x1] =	stream.indirect.gather [hbm4b:s4+s14], $0x20, s23, s14, $0xb8;
	[tilespmem:$0x16400] =	vst v63  }
0xdf: {  	s25 =	sadd.s32 $0x900, s0  }
0xe0: {  	[tilespmem:s17], [sflag:$0x1] =	stream.indirect.gather [hbm4b:s4+s14], $0x20, s25, s14, $0xb8;
	[tilespmem:$0x16400] =	vst v63  }
0xe1: {  	s31 =	sadd.s32 $0x980, s0  }
0xe2: {  	[tilespmem:s18], [sflag:$0x1] =	stream.indirect.gather [hbm4b:s4+s14], $0x20, s31, s14, $0xb8;
	[tilespmem:$0x16400] =	vst v63  }
0xe3: {  	s23 =	sadd.s32 $0xA00, s0  }
0xe4: {  	[tilespmem:s19], [sflag:$0x1] =	stream.indirect.gather [hbm4b:s4+s14], $0x20, s23, s14, $0xb8;
	[tilespmem:$0x16400] =	vst v63  }
0xe5: {  	s25 =	sadd.s32 $0xA80, s0  }
0xe6: {  	[tilespmem:s20], [sflag:$0x1] =	stream.indirect.gather [hbm4b:s4+s14], $0x20, s25, s14, $0xb8;
	[tilespmem:$0x16400] =	vst v63  }
.Ltmp4:
0xe7: {  	_ = 	snop;
	(pc) =	sbr.rel .LBB2_2-.Ltmp4, $4  }
0xe8: {  	s31 =	sadd.s32 $0xB00, s0  }
0xe9: {  	[tilespmem:s21], [sflag:$0x1] =	stream.indirect.gather [hbm4b:s4+s14], $0x20, s31, s14, $0xb8;
	[tilespmem:$0x16400] =	vst v63  }
0xea: {  	s7 =	sadd.s32 $0x2000, s7;
	s13 =	sadd.s32 $0x2, s13;
	s0 =	sadd.s32 $0xB80, s0  }
0xeb: {  	[tilespmem:s22], [sflag:$0x1] =	stream.indirect.gather [hbm4b:s4+s14], $0x20, s0, s14, $0xb8;
	[tilespmem:$0x16400] =	vst v63  }
.LBB2_7:
0xec: {  	_ =	sfence.sel $0x180000  }
0xed: {  	[bflag:$0x0] =	sbarrier.arrive $0xFFFF  }
0xee: {  	_ =	strace $0x90000047  }
0xef: {  	s0 =	stileid.u32;
	[bflag:$0x2] =	sbarrier.arrive $0xFFFF  }
0xf0: {  	p0 =	sne.s32 s0, $0x0;
	s0 =	rddreg [dreg:$0x2]  }
0xf1: {  	s0 =	sadd.s32 @!p0 $0x100000, s0  }
0xf2: {  	[sflag:s0] =	ssyncadd.tile.s32 @!p0 $0x1;
	_ =	shalt  }
.Lfunc_end2:
_tile_overlayer_lowered:
.L_overlay_start_2:
0xf3: {  	(tag) =	ssettag $0x2  }
0xf4: {  	s0 =	rddreg [dreg:$0x0];
	s2 =	stileid.u32  }
0xf5: {  	s1 =	rddreg [dreg:$0x1];
	p0 =	sne.s32 s2, $0x0  }
0xf6: {  	s3 =	rddreg [dreg:$0x2];
	[bflag:$0x3] =	sbarrier.arrive $0xFFFF;
	s2 =	simm.s32 @!p0 $0x1C05  }
0xf7: {  	[timem:s3], [sflag:s2] =	dma.local @!p0 [hbm:s0], s1  }
0xf8: {  	s0 =	simm.s32 @!p0 $0x5  }
0xf9: {  	_ =	swait.ge @!p0 [sflag:s0], s1  }
0xfa: {  	s1 =	ssub.s32 @!p0 $0x0, s1;
	[sflag:s0] =	ssyncset.done @!p0 $0x0  }
0xfb: {  	[sflag:s0] =	ssyncadd.s32 @!p0 s1  }
0xfc: {  	[bflag:$0x3] =	sbarrier.arrive $0xFFFF  }
0xfd: {  	_ =	shalt  }

// kernel: sparse-core-data-format-call.1.cloned.1.call-start
scs
called_computation.1_lowered:
.L_overlay_start_0:
0x0: {  	s2 =	sld [smem:$0x3FD9]  }
0x1: {  	s3 =	sld [smem:$0x3FFE];
	_ =	sdelay $0x1  }
0x2: {  	s1 =	srdreg.scid  }
0x3: {  	s0 =	sand.u32 $0x1, s1  }
0x4: {  	s18 =	sshll.u32 s0, $0xA;
	s2 =	sadd.s32 s3, s2  }
0x5: {  	s2 =	sadd.s32 s2, s18  }
0x6: {  	[smem:$0x3FC6] =	sst s2  }
0x7: {  	_ = 	snop  }
0x8: {  	s2 =	sld [smem:$0x3FD0];
	(tm) =	ssettm $0x1  }
0x9: {  	s19 =	sld [smem:$0x3FFB];
	_ =	sdelay $0x3  }
0xa: {  	_ =	strace s19  }
0xb: {  	s3 =	sld [smem:$0x3FFC];
	_ =	sdelay $0x3  }
0xc: {  	_ =	strace s3  }
0xd: {  	s3 =	sld [smem:$0x3FFD];
	_ =	sdelay $0x3  }
0xe: {  	_ =	strace s3  }
0xf: {  	_ =	strace $0x8FFFFFFF  }
0x10: {  	s20 =	sld [smem:$0x3FDB];
	_ =	sdelay $0x1  }
0x11: {  	s4 =	simm.s32 $_scs_section_size  }
0x12: {  	s5 =	simm.s32 $_size__tile_overlayer_lowered;
	s6 =	simm.s32 $_tile_overlayer_lowered  }
0x13: {  	s23 =	simm.s32 $0x1BFF;
	s22 =	sshll.u32 s6, $0x1;
	s3 =	sadd.s32 s4, s20  }
0x14: {  	s7 =	simm.s32 $0x0;
	s21 =	sshll.u32 s5, $0x1;
	s5 =	sadd.s32 s22, s3  }
0x15: {  	[timem:s7], [sflag:s23] =	dma.local [hbm:s5], s21  }
0x16: {  	_ =	swait.ge [sflag:s23], s21  }
0x17: {  	s4 =	ssub.s32 $0x0, s21;
	[sflag:s23] =	ssyncset.done $0x0  }
0x18: {  	[sflag:s23] =	ssyncadd.s32 s4;
	_ =	sdelay $0x1  }
0x19: {  	s24 =	simm.s32 $0x1B8B  }
0x1a: {  	_ =	swait.ge [sflag:s24], $0x1  }
0x1b: {  	[sflag:s24] =	ssyncset.done $0x0  }
0x1c: {  	s26 =	simm.s32 $0x1B8E;
	s25 =	sld [smem:$0x3FFE];
	[sflag:s24] =	ssyncadd.s32 $0xFFFFFFFF  }
0x1d: {  	s27 =	simm.s32 $execute0_lowered;
	[smem:$0x3FD2] =	sst s26  }
0x1e: {  	s5 =	sshll.u32 s27, $0x1;
	_ =	strace $0x80000049;
	[dreg:$0x1] =	wrdreg $0xFFFFFFFF  }
0x1f: {  	s28 =	simm.s32 $_size_execute0_lowered;
	s3 =	sadd.s32 s3, s5;
	[dreg:$0x0] =	wrdreg $0x0  }
0x20: {  	s5 =	sshll.u32 s28, $0x1;
	[dreg:$0x2] =	wrdreg s3  }
0x21: {  	[dreg:$0x3] =	wrdreg s5  }
0x22: {  	[dreg:$0x4] =	wrdreg $0xC0  }
0x23: {  	_ =	task [dreg:s7], $0x5FFFF  }
0x24: {  	[dreg:$0x1] =	wrdreg $0xFFFFFFFF  }
0x25: {  	[dreg:$0x0] =	wrdreg $0x60  }
0x26: {  	[dreg:$0x2] =	wrdreg s25  }
0x27: {  	[dreg:$0x3] =	wrdreg s2  }
0x28: {  	[dreg:$0x4] =	wrdreg $0x9  }
0x29: {  	_ =	task.clear_ibuf [dreg:s7], $0x5FFFF;
	_ =	strace $0x90000049  }
0x2a: {  	s29 =	simm.s32 $0x9;
	_ =	strace $0x8000004B  }
0x2b: {  	_ =	swait.ge [sflag:s29], $0x1  }
0x2c: {  	[sflag:s29] =	ssyncadd.s32 $0xFFFFFFFF  }
0x2d: {  	_ =	strace $0x9000004B  }
0x2e: {  	_ =	sfence  }
0x2f: {  	s30 =	sld [smem:$0x0];
	_ =	sdelay $0x2  }
0x30: {  	s31 =	sshll.u32 s1, $0xD;
	s1 =	sshrl.u32 s1, $0x2  }
0x31: {  	s3 =	sand.u32 $0x4000, s31;
	s1 =	sadd.s32 s1, s30  }
0x32: {  	s0 =	sor.u32 s3, s0;
	s1 =	sshll.u32 s1, $0x11  }
0x33: {  	s0 =	sor.u32 s1, s0  }
0x34: {  	s0 =	sadd.s32 $0x8F2B, s0  }
0x35: {  	[sflag:s0] =	ssyncadd.remote.s32 $0x1  }
0x36: {  	_ =	sfence.sel $0xFFFF  }
0x37: {  	[dreg:$0x0] =	wrdreg $0xFFFFFFFF;
	(pc) =	sbr.abs _section_cstart, $3  }
0x38: {  	[dreg:$0x1] =	wrdreg $0xFFFFFFFF  }
0x39: {  	_ =	task.clear_ibuf [dreg:s7], $0x2FFFF;
	_ =	strace $0x9FFFFFFF  }
0x3a: {  	(tm) =	ssettm $0x7FFFFFFF  }
0x3b: {  	_ =	shalt  }
tec
execute0_lowered:
.L_overlay_start_1:
0x0: {  	(tag) =	ssettag $0x1  }
0x1: {  	s0 =	srdreg.scid  }
0x2: {  	s1 =	sshll.u32 s0, $0x4  }
0x3: {  	s4 =	rddreg [dreg:$0x0];
	s0 =	stileid.u32;
	s1 =	sand.u32 $0x10, s1  }
0x4: {  	s2 =	rddreg [dreg:$0x1];
	s7 =	simm.s32 $0x1;
	s1 =	sor.u32 s0, s1  }
0x5: {  	s8 =	simm.s32 $0x2;
	s11 =	simm.s32 $0x0;
	s3 =	sshll.u32 s1, $0x7  }
0x6: {  	s10 =	simm.s32 $0x0;
	s4 =	sadd.s32 $0xE00, s4;
	s6 =	ssub.s32 $0xC8000, s3  }
.Ltmp0:
0x7: {  	s1 =	rddreg [dreg:$0x2];
	s5 =	sand.u32 $0xF80, s6;
	(pc) =	sbr.rel .LBB1_1-.Ltmp0, $4  }
0x8: {  	_ =	strace $0x8000004A;
	s9 =	smov.u32 s3;
	p0 =	sne.s32 s5, $0x0  }
0x9: {  	s6 =	sshrl.u32 s6, $0xC;
	s5 =	simm.s32 $0x1;
	s7 =	simm.s32 @!p0 $0x0  }
0xa: {  	[sflag:s5] =	ssyncpa.u1 $0x0;
	p0 =	por $0x0, $0x0;
	s6 =	sadd.s32 s7, s6  }
0xb: {  	[sflag:s8] =	ssyncpa.u1 $0x0;
	s8 =	simm.s32 $0x640000;
	s7 =	sadd.s32 $0x1, s6  }
.LBB1_4:
0xc: {  	s14 =	sshll.u32 s11, $0x3  }
0xd: {  	s30 =	sand.u32 $0x7F, s11;
	s15 =	sand.u32 $0xFFFFFC00, s14  }
0xe: {  	s11 =	sor.u32 s30, s15  }
0xf: {  	s15 =	smulhi.u32 $0x51EB851F, s11  }
0x10: {  	s14 =	smulhi.u32 $0x51EB851F, s14  }
0x11: {  	s15 =	sshrl.u32 s15, $0x12  }
0x12: {  	s14 =	sshrl.u32 s14, $0x12;
	s15 =	smul.u32 $0xC8000, s15  }
0x13: {  	s14 =	sand.u32 $0x1F, s14  }
0x14: {  	s14 =	smul.u32 $0x19000, s14;
	s11 =	ssub.s32 s11, s15  }
0x15: {  	s15 =	sand.u32 $0x7, s11  }
0x16: {  	s14 =	sadd.s32 s2, s14;
	s11 =	sshrl.u32 s11, $0x3;
	s15 =	sshll.u32 s15, $0x12  }
0x17: {  	[tilespmem:s13+$0x0 ss:$0x81] =	vst.msk $0xffff, v0;
	s11 =	sadd.s32 s11, s14;
	s31 =	sor.u32 $0x400, s15  }
0x18: {  	[hbm4b:s11+s31] =	stream.strided.scatter [tilespmem:s12], [sflag:$0x2], $0x1000, s8, s31, $0x20;
	[tilespmem:$0x4040] =	vst v63  }
.LBB1_5:
0x19: {  	s13 =	sadd.s32 $0x1000, s9  }
0x1a: {  	p2 =	sgt.s32 s13, $0xC7FFF  }
0x1b: {  	s13 =	smov.u32 @p2 s3;
	p2 =	sne.s32 s10, s7  }
.Ltmp1:
0x1c: {  	p1 =	slt.u32 s10, $0x2;
	(pc) =	sbr.rel @!p2 .LBB1_6-.Ltmp1, $4  }
0x1d: {  	s12 =	simm.s32 @!p1 $0x2  }
0x1e: {  	s14 =	sadd.s32 $0x1, s10;
	_ =	swait.ge @!p1 [sflag:s12], $0x1000  }
0x1f: {  	s11 =	smov.u32 s9;
	p0 =	por !p0, !p0;
	[sflag:s12] =	ssyncset.done @!p1 $0x0  }
0x20: {  	s10 =	smov.u32 s14;
	s9 =	smov.u32 s13;
	[sflag:s12] =	ssyncadd.s32 @!p1 $0xFFFFF000  }
.LBB1_1:
0x21: {  	p1 =	sge.u32 s10, s6  }
0x22: {  	s12 =	sand.u32 @!p1 $0x1FFFFFF, s9  }
0x23: {  	s13 =	smulhi.u32 @!p1 $0x147AE15, s12;
	_ =	sdelay $0x1  }
0x24: {  	s13 =	sshrl.u32 @!p1 s13, $0xC  }
0x25: {  	s13 =	smul.u32 @!p1 $0xC8000, s13;
	_ =	sdelay $0x1  }
0x26: {  	s31 =	sadd.s32 $0xFFFFFFFF, s10;
	s14 =	sxor.u32 @!p1 $0xFFFFFFFF, s10;
	s12 =	ssub.s32 @!p1 s12, s13  }
0x27: {  	s15 =	simm.s32 @!p1 $0x80;
	s14 =	sshll.u32 @!p1 s14, $0xC;
	s12 =	sshll.u32 @!p1 s12, $0x4  }
0x28: {  	s13 =	sand.u32 @!p1 $0x1000, s14;
	s14 =	simm.s32 @!p1 $0x20;
	s12 =	sadd.s32 @!p1 s4, s12  }
0x29: {  	[tilespmem:s13], [sflag:$0x1] =	stream.strided.gather @!p1 [hbm4b:s12+s14], $0x1000, s15, s14, $0x38;
	[tilespmem:$0x4040] =	vst v63  }
0x2a: {  	p1 =	sge.u32 s31, s6  }
.Ltmp2:
0x2b: {  	_ = 	snop;
	(pc) =	sbr.rel @p1 .LBB1_5-.Ltmp2, $1  }
0x2c: {  	_ =	sdelay $0x3  }
0x2d: {  	s12 =	simm.s32 $0x1  }
0x2e: {  	_ =	swait.ge [sflag:s5], $0x1000;
	s12 =	simm.s32 @!p0 $0x0  }
0x2f: {  	[sflag:s5] =	ssyncset.done $0x0;
	s13 =	sshll.u32 s12, $0xC  }
0x30: {  	[sflag:s5] =	ssyncadd.s32 $0xFFFFF000;
	s16 =	sor.u32 $0x10, s13  }
0x31: {  	s12 =	smul.u32 $0x4080, s12;
	v1 =	vld [tilespmem:s16+$0x0]  }
0x32: {  	s30 =	sand.u32 $0x1, s10;
	v0 =	vld [tilespmem:s16+$0xFFFFFFF0]  }
0x33: {  	s13 =	smul.u32 $0x4080, s30;
	s12 =	sshrl.u32 s12, $0x2  }
0x34: {  	s14 =	sor.u32 $0x2000, s12  }
0x35: {  	s31 =	sshrl.u32 s13, $0x2;
	s13 =	sadd.s32 $0x0, s14  }
0x36: {  	s15 =	simm.s32 $0x4;
	s16 =	sadd.s32 $0x20, s16;
	s12 =	sor.u32 $0x2000, s31;
	[tilespmem:s13+$0x810 ss:$0x81] =	vst.msk $0xffff, v1  }
.LBB1_3:
0x37: {  	v1 =	vld [tilespmem:s16+$0x0];
	p1 =	sne.s32 s15, $0x1FC;
	[tilespmem:s13+$0x0 ss:$0x81] =	vst.msk $0xffff, v0;
	s13 =	smov.u32 s15;
	s15 =	sadd.s32 $0x4, s15  }
.Ltmp3:
0x38: {  	v0 =	vld [tilespmem:s16+$0xFFFFFFF0];
	(pc) =	sbr.rel @p1 .LBB1_3-.Ltmp3, $4  }
0x39: {  	_ = 	snop  }
0x3a: {  	s13 =	sshra.s32 s13, $0x2  }
0x3b: {  	s13 =	sadd.s32 s13, s14  }
0x3c: {  	s16 =	sadd.s32 $0x20, s16;
	[tilespmem:s13+$0x810 ss:$0x81] =	vst.msk $0xffff, v1  }
.Ltmp4:
0x3d: {  	_ = 	snop;
	(pc) =	sbr.rel .LBB1_4-.Ltmp4, $1  }
0x3e: {  	_ =	sdelay $0x3  }
.LBB1_6:
0x3f: {  	_ =	sfence.sel $0x180000  }
0x40: {  	s2 =	simm.s32 $0x1;
	[bflag:$0x0] =	sbarrier.arrive $0xFFFF  }
0x41: {  	s31 =	simm.s32 $0x2;
	[sflag:s2] =	ssyncpa.u1 $0x1  }
0x42: {  	[sflag:s31] =	ssyncpa.u1 $0x1  }
0x43: {  	p0 =	sne.s32 s0, $0x0;
	_ =	strace $0x9000004A  }
0x44: {  	s0 =	sadd.s32 @!p0 $0x100000, s1;
	[bflag:$0x2] =	sbarrier.arrive $0xFFFF  }
0x45: {  	[sflag:s0] =	ssyncadd.tile.s32 @!p0 $0x1;
	_ =	shalt  }
.Lfunc_end1:
_tile_overlayer_lowered:
.L_overlay_start_2:
0x46: {  	(tag) =	ssettag $0x2  }
0x47: {  	s0 =	rddreg [dreg:$0x0];
	s2 =	stileid.u32  }
0x48: {  	s1 =	rddreg [dreg:$0x1];
	p0 =	sne.s32 s2, $0x0  }
0x49: {  	s3 =	rddreg [dreg:$0x2];
	[bflag:$0x3] =	sbarrier.arrive $0xFFFF;
	s2 =	simm.s32 @!p0 $0x1C01  }
0x4a: {  	[timem:s3], [sflag:s2] =	dma.local @!p0 [hbm:s0], s1  }
0x4b: {  	s0 =	simm.s32 @!p0 $0x1  }
0x4c: {  	_ =	swait.ge @!p0 [sflag:s0], s1  }
0x4d: {  	s1 =	ssub.s32 @!p0 $0x0, s1;
	[sflag:s0] =	ssyncset.done @!p0 $0x0  }
0x4e: {  	[sflag:s0] =	ssyncadd.s32 @!p0 s1  }
0x4f: {  	[bflag:$0x3] =	sbarrier.arrive $0xFFFF  }
0x50: {  	_ =	shalt  }

// kernel: sparse-core-data-format-call.cloned.1.call-start
scs
called_computation_lowered:
.L_overlay_start_0:
0x0: {  	s2 =	sld [smem:$0x3FD9]  }
0x1: {  	s3 =	sld [smem:$0x3FFE];
	_ =	sdelay $0x1  }
0x2: {  	s1 =	srdreg.scid  }
0x3: {  	s0 =	sand.u32 $0x1, s1  }
0x4: {  	s18 =	sshll.u32 s0, $0xA;
	s2 =	sadd.s32 s3, s2  }
0x5: {  	s2 =	sadd.s32 s2, s18  }
0x6: {  	[smem:$0x3FC6] =	sst s2  }
0x7: {  	_ = 	snop  }
0x8: {  	s2 =	sld [smem:$0x3FD0];
	(tm) =	ssettm $0x1  }
0x9: {  	s19 =	sld [smem:$0x3FFB];
	_ =	sdelay $0x3  }
0xa: {  	_ =	strace s19  }
0xb: {  	s3 =	sld [smem:$0x3FFC];
	_ =	sdelay $0x3  }
0xc: {  	_ =	strace s3  }
0xd: {  	s3 =	sld [smem:$0x3FFD];
	_ =	sdelay $0x3  }
0xe: {  	_ =	strace s3  }
0xf: {  	_ =	strace $0x8FFFFFFF  }
0x10: {  	s20 =	sld [smem:$0x3FDB];
	_ =	sdelay $0x1  }
0x11: {  	s4 =	simm.s32 $_scs_section_size  }
0x12: {  	s5 =	simm.s32 $_size__tile_overlayer_lowered;
	s6 =	simm.s32 $_tile_overlayer_lowered  }
0x13: {  	s23 =	simm.s32 $0x1BFF;
	s22 =	sshll.u32 s6, $0x1;
	s3 =	sadd.s32 s4, s20  }
0x14: {  	s7 =	simm.s32 $0x0;
	s21 =	sshll.u32 s5, $0x1;
	s5 =	sadd.s32 s22, s3  }
0x15: {  	[timem:s7], [sflag:s23] =	dma.local [hbm:s5], s21  }
0x16: {  	_ =	swait.ge [sflag:s23], s21  }
0x17: {  	s4 =	ssub.s32 $0x0, s21;
	[sflag:s23] =	ssyncset.done $0x0  }
0x18: {  	[sflag:s23] =	ssyncadd.s32 s4;
	_ =	sdelay $0x1  }
0x19: {  	s24 =	simm.s32 $0x1B8B  }
0x1a: {  	_ =	swait.ge [sflag:s24], $0x1  }
0x1b: {  	[sflag:s24] =	ssyncset.done $0x0  }
0x1c: {  	s26 =	simm.s32 $0x1B8E;
	s25 =	sld [smem:$0x3FFE];
	[sflag:s24] =	ssyncadd.s32 $0xFFFFFFFF  }
0x1d: {  	s27 =	simm.s32 $execute0_lowered;
	[smem:$0x3FD2] =	sst s26  }
0x1e: {  	s5 =	sshll.u32 s27, $0x1;
	_ =	strace $0x8000004C;
	[dreg:$0x1] =	wrdreg $0xFFFFFFFF  }
0x1f: {  	s28 =	simm.s32 $_size_execute0_lowered;
	s3 =	sadd.s32 s3, s5;
	[dreg:$0x0] =	wrdreg $0x0  }
0x20: {  	s5 =	sshll.u32 s28, $0x1;
	[dreg:$0x2] =	wrdreg s3  }
0x21: {  	[dreg:$0x3] =	wrdreg s5  }
0x22: {  	[dreg:$0x4] =	wrdreg $0xC0  }
0x23: {  	_ =	task [dreg:s7], $0x5FFFF  }
0x24: {  	[dreg:$0x1] =	wrdreg $0xFFFFFFFF  }
0x25: {  	[dreg:$0x0] =	wrdreg $0x60  }
0x26: {  	[dreg:$0x2] =	wrdreg s25  }
0x27: {  	[dreg:$0x3] =	wrdreg s2  }
0x28: {  	[dreg:$0x4] =	wrdreg $0x9  }
0x29: {  	_ =	task.clear_ibuf [dreg:s7], $0x5FFFF;
	_ =	strace $0x9000004C  }
0x2a: {  	s29 =	simm.s32 $0x9;
	_ =	strace $0x8000004E  }
0x2b: {  	_ =	swait.ge [sflag:s29], $0x1  }
0x2c: {  	[sflag:s29] =	ssyncadd.s32 $0xFFFFFFFF  }
0x2d: {  	_ =	strace $0x9000004E  }
0x2e: {  	_ =	sfence  }
0x2f: {  	s30 =	sld [smem:$0x0];
	_ =	sdelay $0x2  }
0x30: {  	s31 =	sshll.u32 s1, $0xD;
	s1 =	sshrl.u32 s1, $0x2  }
0x31: {  	s3 =	sand.u32 $0x4000, s31;
	s1 =	sadd.s32 s1, s30  }
0x32: {  	s0 =	sor.u32 s3, s0;
	s1 =	sshll.u32 s1, $0x11  }
0x33: {  	s0 =	sor.u32 s1, s0  }
0x34: {  	s0 =	sadd.s32 $0x8F2B, s0  }
0x35: {  	[sflag:s0] =	ssyncadd.remote.s32 $0x1  }
0x36: {  	_ =	sfence.sel $0xFFFF  }
0x37: {  	[dreg:$0x0] =	wrdreg $0xFFFFFFFF;
	(pc) =	sbr.abs _section_cstart, $3  }
0x38: {  	[dreg:$0x1] =	wrdreg $0xFFFFFFFF  }
0x39: {  	_ =	task.clear_ibuf [dreg:s7], $0x2FFFF;
	_ =	strace $0x9FFFFFFF  }
0x3a: {  	(tm) =	ssettm $0x7FFFFFFF  }
0x3b: {  	_ =	shalt  }
tec
execute0_lowered:
.L_overlay_start_1:
0x0: {  	(tag) =	ssettag $0x1  }
0x1: {  	s8 =	rddreg [dreg:$0x0]  }
0x2: {  	s2 =	rddreg [dreg:$0x1];
	s1 =	stileid.u32  }
0x3: {  	s4 =	srdreg.scid;
	s0 =	rddreg [dreg:$0x2];
	_ =	strace $0x8000004D  }
0x4: {  	s9 =	simm.s32 $0x1;
	s31 =	simm.s32 $0x2;
	s16 =	simm.s32 $0x0  }
0x5: {  	s17 =	simm.s32 $0x0;
	s11 =	simm.s32 $0x0;
	s12 =	simm.s32 $0x0  }
0x6: {  	s15 =	simm.s32 $0x0;
	s3 =	sshll.u32 s1, $0x1;
	s4 =	sshll.u32 s4, $0x7  }
0x7: {  	s4 =	sand.u32 $0x80, s4;
	s5 =	ssub.s32 $0x20, s3;
	s14 =	smov.u32 s3  }
0x8: {  	s6 =	sshrl.u32 s5, $0x5;
	s5 =	sand.u32 $0x1E, s5;
	s7 =	ssub.s32 $0x4000, s4  }
0x9: {  	p0 =	sne.s32 s5, $0x0;
	s30 =	sshrl.u32 s7, $0x7;
	s7 =	sshrl.u32 s7, $0x8  }
.Ltmp0:
0xa: {  	s9 =	simm.s32 @!p0 $0x0;
	s10 =	sand.u32 $0x1, s30;
	(pc) =	sbr.rel .LBB1_1-.Ltmp0, $4  }
0xb: {  	s5 =	simm.s32 $0x1;
	s6 =	sadd.s32 s9, s6;
	s7 =	sadd.s32 s7, s10  }
0xc: {  	s13 =	smov.u32 s4;
	[sflag:s5] =	ssyncpa.u1 $0x0;
	s6 =	smul.u32 s6, s7  }
0xd: {  	p0 =	por $0x0, $0x0;
	[sflag:s31] =	ssyncpa.u1 $0x0;
	s10 =	simm.s32 $0x80000  }
0xe: {  	s7 =	sadd.s32 $0xE00, s8;
	s8 =	sadd.s32 $0x40E00, s8;
	s9 =	sadd.s32 $0x1, s6  }
.LBB1_7:
0xf: {  	p1 =	slt.u32 s15, $0x2  }
0x10: {  	s19 =	smov.u32 s17;
	p2 =	sgt.s32 @!p1 s17, $0x1E;
	s18 =	sshra.s32 @!p1 s17, $0x1F  }
0x11: {  	p3 =	sgt.s32 @!p1 s16, $0x3F80;
	s20 =	sshra.s32 @!p1 s16, $0x1F;
	p2 =	por !p2, p1  }
0x12: {  	s17 =	sand.u32 @!p1 s18, s17;
	p3 =	por !p3, p1;
	s18 =	smov.u32 s16  }
0x13: {  	s16 =	sand.u32 @!p1 s20, s16;
	s19 =	simm.s32 @p2 $0x1E;
	s18 =	simm.s32 @p3 $0x3F80  }
0x14: {  	s20 =	smov.u32 s14;
	s17 =	ssub.s32 @!p1 s19, s17;
	s16 =	ssub.s32 @!p1 s18, s16  }
0x15: {  	s18 =	sadd.s32 @!p1 $0xFFFFFFE2, s17;
	s17 =	ssub.s32 @!p1 $0x20, s17;
	s19 =	sadd.s32 @!p1 $0xFFFFC080, s16  }
0x16: {  	p2 =	sgt.s32 @!p1 s18, $0x1;
	s17 =	smul.u32 @!p1 $0x32, s17;
	p3 =	sgt.s32 @!p1 s19, $0x7F  }
0x17: {  	s16 =	ssub.s32 @!p1 $0x4000, s16;
	p2 =	por !p2, p1;
	p3 =	por !p3, p1  }
0x18: {  	s18 =	sadd.s32 $0x100, s13;
	s17 =	simm.s32 @!p2 $0x0;
	s16 =	simm.s32 @!p3 $0x0  }
0x19: {  	p2 =	sgt.s32 s18, $0x3FFF;
	s16 =	smul.u32 @!p1 s16, s17;
	s17 =	sadd.s32 $0x20, s14  }
0x1a: {  	s20 =	smov.u32 @p2 s17  }
0x1b: {  	s18 =	smov.u32 @p2 s4;
	p2 =	sgt.s32 s20, $0x1F  }
0x1c: {  	s20 =	smov.u32 @p2 s3;
	p2 =	sne.s32 s15, s9  }
.Ltmp1:
0x1d: {  	p0 =	por !p0, !p0;
	s19 =	simm.s32 @!p1 $0x2;
	(pc) =	sbr.rel @!p2 .LBB1_8-.Ltmp1, $4  }
0x1e: {  	s17 =	smov.u32 s12;
	s12 =	smov.u32 s14;
	s16 =	sand.u32 @!p1 $0x3FFFFFFE, s16  }
0x1f: {  	_ =	swait.ge @!p1 [sflag:s19], s16;
	s21 =	ssub.s32 @!p1 $0x0, s16;
	s16 =	smov.u32 s11  }
0x20: {  	s15 =	sadd.s32 $0x1, s15;
	s11 =	smov.u32 s13;
	[sflag:s19] =	ssyncset.done @!p1 $0x0  }
0x21: {  	s13 =	smov.u32 s18;
	s14 =	smov.u32 s20;
	[sflag:s19] =	ssyncadd.s32 @!p1 s21  }
.LBB1_1:
0x22: {  	p1 =	sge.u32 s15, s6  }
0x23: {  	s18 =	sxor.u32 @!p1 $0xFFFFFFFF, s15;
	s19 =	sshll.u32 @!p1 s14, $0x12  }
0x24: {  	s20 =	sshll.u32 @!p1 s13, $0x4;
	s22 =	simm.s32 @!p1 $0x40;
	s23 =	simm.s32 @!p1 $0x80  }
0x25: {  	s18 =	sshll.u32 @!p1 s18, $0xE;
	s20 =	sand.u32 @!p1 $0x3FFF0, s20;
	s21 =	sadd.s32 @!p1 s7, s19  }
0x26: {  	s19 =	sadd.s32 @!p1 s19, s8;
	s18 =	sand.u32 @!p1 $0x4000, s18;
	s21 =	sadd.s32 @!p1 s20, s21  }
0x27: {  	[tilespmem:s18], [sflag:$0x1] =	stream.strided.gather @!p1 [hbm4b:s21+s22], $0x2000, s23, s22, $0x38;
	[tilespmem:$0x10100] =	vst v63  }
0x28: {  	s31 =	sadd.s32 $0xFFFFFFFF, s15;
	s19 =	sadd.s32 @!p1 s20, s19;
	s18 =	sor.u32 @!p1 $0x2000, s18  }
0x29: {  	[tilespmem:s18], [sflag:$0x1] =	stream.strided.gather @!p1 [hbm4b:s19+s22], $0x2000, s23, s22, $0x38;
	[tilespmem:$0x10100] =	vst v63  }
0x2a: {  	p1 =	sge.u32 s31, s6  }
.Ltmp2:
0x2b: {  	_ = 	snop;
	(pc) =	sbr.rel @p1 .LBB1_7-.Ltmp2, $1  }
0x2c: {  	_ =	sdelay $0x3  }
0x2d: {  	s18 =	simm.s32 $0x1;
	s20 =	sand.u32 $0x1, s15  }
0x2e: {  	_ =	swait.ge [sflag:s5], $0x4000;
	s18 =	simm.s32 @!p0 $0x0;
	s20 =	smul.u32 $0x10200, s20  }
0x2f: {  	p2 =	por $0x1, $0x1;
	[sflag:s5] =	ssyncset.done $0x0;
	s19 =	smul.u32 $0x10200, s18  }
0x30: {  	s21 =	sshll.u32 s18, $0x10;
	[sflag:s5] =	ssyncadd.s32 $0xFFFFC000;
	s30 =	sshrl.u32 s20, $0x2  }
0x31: {  	s31 =	sshrl.u32 s21, $0x2;
	s21 =	simm.s32 $0x0;
	s19 =	sshrl.u32 s19, $0x2  }
0x32: {  	s18 =	sor.u32 $0x8000, s30;
	s20 =	sadd.s32 $0x20, s31;
	s19 =	sor.u32 $0x8000, s19  }
.LBB1_3:
0x33: {  	s22 =	sshll.u32 s21, $0xD  }
0x34: {  	s22 =	sand.u32 $0x3FFFE000, s22  }
0x35: {  	s24 =	sadd.s32 s22, s20  }
0x36: {  	s31 =	smul.u32 $0x204, s21;
	v3 =	vld [tilespmem:s24+$0x10]  }
0x37: {  	v1 =	vld [tilespmem:s24+$0xFFFFFFF0]  }
0x38: {  	s21 =	sshra.s32 s31, $0x2;
	v0 =	vld [tilespmem:s24+$0x0]  }
0x39: {  	s21 =	sadd.s32 s21, s19;
	v2 =	vld [tilespmem:s24+$0xFFFFFFE0]  }
0x3a: {  	s22 =	sadd.s32 $0x0, s21  }
0x3b: {  	p1 =	por p2, p2;
	s23 =	simm.s32 $0x4;
	s24 =	sadd.s32 $0x40, s24;
	[tilespmem:s22+$0x3060 ss:$0x102] =	vst.msk $0xffff, v3  }
.LBB1_4:
0x3c: {  	v3 =	vld [tilespmem:s24+$0x10];
	p2 =	sne.s32 s23, $0x1FC;
	[tilespmem:s22+$0x1020 ss:$0x102] =	vst.msk $0xffff, v1;
	s25 =	smov.u32 s23;
	s23 =	sadd.s32 $0x4, s23  }
.Ltmp3:
0x3d: {  	v1 =	vld [tilespmem:s24+$0xFFFFFFF0];
	[tilespmem:s22+$0x2040 ss:$0x102] =	vst.msk $0xffff, v0;
	(pc) =	sbr.rel @p2 .LBB1_4-.Ltmp3, $4  }
0x3e: {  	v0 =	vld [tilespmem:s24+$0x0];
	[tilespmem:s22+$0x0 ss:$0x102] =	vst.msk $0xffff, v2  }
0x3f: {  	s22 =	sshra.s32 s25, $0x2;
	v2 =	vld [tilespmem:s24+$0xFFFFFFE0]  }
0x40: {  	s22 =	sadd.s32 s22, s21  }
0x41: {  	s24 =	sadd.s32 $0x40, s24;
	[tilespmem:s22+$0x3060 ss:$0x102] =	vst.msk $0xffff, v3  }
.Ltmp4:
0x42: {  	(pc) =	sbr.rel @p1 .LBB1_3-.Ltmp4, $4  }
0x43: {  	_ = 	snop  }
0x44: {  	[tilespmem:s22+$0x1020 ss:$0x102] =	vst.msk $0xffff, v1  }
0x45: {  	[tilespmem:s22+$0x2040 ss:$0x102] =	vst.msk $0xffff, v0  }
0x46: {  	s21 =	simm.s32 $0x1;
	p2 =	por $0x0, $0x0;
	[tilespmem:s22+$0x0 ss:$0x102] =	vst.msk $0xffff, v2  }
0x47: {  	s19 =	sand.u32 $0x78, s11;
	p1 =	sgt.s32 s12, $0x1E;
	s20 =	smov.u32 s12  }
0x48: {  	s21 =	sshra.s32 s12, $0x1F;
	s22 =	sshll.u32 s12, $0xE;
	s23 =	sshll.u32 s11, $0x3  }
0x49: {  	s30 =	sshra.s32 s11, $0x1F;
	s25 =	sshll.u32 s12, $0x7;
	s20 =	simm.s32 @!p1 $0x1E  }
0x4a: {  	s21 =	sand.u32 s21, s12;
	s22 =	sand.u32 $0x60000, s22;
	p1 =	sgt.s32 s11, $0x3F80  }
0x4b: {  	s25 =	sand.u32 $0x380, s25;
	s20 =	ssub.s32 s20, s21;
	s21 =	smov.u32 s11  }
0x4c: {  	s22 =	sadd.s32 s22, s23;
	s24 =	sadd.s32 $0xFFFFFFE2, s20;
	s21 =	simm.s32 @!p1 $0x3F80  }
0x4d: {  	s20 =	ssub.s32 $0x20, s20;
	p1 =	sgt.s32 s24, $0x1;
	s24 =	sand.u32 s30, s11  }
0x4e: {  	s23 =	sand.u32 $0x3C00, s23;
	s20 =	smul.u32 $0x32, s20;
	s21 =	ssub.s32 s21, s24  }
0x4f: {  	s19 =	sor.u32 s25, s19;
	s22 =	sand.u32 $0x7C000, s22;
	s24 =	sadd.s32 $0xFFFFC080, s21  }
0x50: {  	s20 =	simm.s32 @p1 $0x0;
	s21 =	ssub.s32 $0x4000, s21;
	p1 =	sgt.s32 s24, $0x7F  }
.Ltmp5:
0x51: {  	s19 =	sor.u32 s23, s19;
	s21 =	simm.s32 @p1 $0x0;
	(pc) =	sbr.rel .LBB1_7-.Ltmp5, $4  }
0x52: {  	s31 =	sand.u32 $0x7, s11;
	s19 =	sor.u32 s22, s19;
	s20 =	smul.u32 s21, s20  }
0x53: {  	s19 =	sshrl.u32 s19, $0x3;
	s21 =	sshll.u32 s31, $0x12  }
0x54: {  	s19 =	sadd.s32 s2, s19;
	s21 =	sor.u32 $0x100, s21;
	s20 =	sand.u32 $0x3FFFFFFE, s20  }
0x55: {  	[hbm4b:s19+s21] =	stream.strided.scatter [tilespmem:s18], [sflag:$0x2], s20, s10, s21, $0x20;
	[tilespmem:$0x10100] =	vst v63  }
.LBB1_8:
0x56: {  	_ =	sfence.sel $0x180000  }
0x57: {  	s2 =	simm.s32 $0x1;
	[bflag:$0x0] =	sbarrier.arrive $0xFFFF  }
0x58: {  	s31 =	simm.s32 $0x2;
	[sflag:s2] =	ssyncpa.u1 $0x1  }
0x59: {  	[sflag:s31] =	ssyncpa.u1 $0x1  }
0x5a: {  	p0 =	sne.s32 s1, $0x0;
	_ =	strace $0x9000004D  }
0x5b: {  	s0 =	sadd.s32 @!p0 $0x100000, s0;
	[bflag:$0x2] =	sbarrier.arrive $0xFFFF  }
0x5c: {  	[sflag:s0] =	ssyncadd.tile.s32 @!p0 $0x1;
	_ =	shalt  }
.Lfunc_end1:
_tile_overlayer_lowered:
.L_overlay_start_2:
0x5d: {  	(tag) =	ssettag $0x2  }
0x5e: {  	s0 =	rddreg [dreg:$0x0];
	s2 =	stileid.u32  }
0x5f: {  	s1 =	rddreg [dreg:$0x1];
	p0 =	sne.s32 s2, $0x0  }
0x60: {  	s3 =	rddreg [dreg:$0x2];
	[bflag:$0x3] =	sbarrier.arrive $0xFFFF;
	s2 =	simm.s32 @!p0 $0x1C01  }
0x61: {  	[timem:s3], [sflag:s2] =	dma.local @!p0 [hbm:s0], s1  }
0x62: {  	s0 =	simm.s32 @!p0 $0x1  }
0x63: {  	_ =	swait.ge @!p0 [sflag:s0], s1  }
0x64: {  	s1 =	ssub.s32 @!p0 $0x0, s1;
	[sflag:s0] =	ssyncset.done @!p0 $0x0  }
0x65: {  	[sflag:s0] =	ssyncadd.s32 @!p0 s1  }
0x66: {  	[bflag:$0x3] =	sbarrier.arrive $0xFFFF  }
0x67: {  	_ =	shalt  }

</sc_bundles>
